<compile_context>
chip_gen: v7x
topology: tpu7x:2x2x1
jax: 0.10.2.dev20260603
libtpu: 0.0.44.dev20260713+nightly
codegen_flags: <defaults>
</compile_context>

<pallas_src>
import functools

import jax
import jax.numpy as jnp
from jax import lax
from jax.experimental import pallas as pl
from jax.experimental.pallas import tpu as pltpu
from jax.experimental.pallas import tpu_sc as plsc

_N = 10000
_E = 320000
_D = 128
_HALF = _D // 2
_NSUB = 16
_EPT = _E // _NSUB
_NB = 80
_NBLK = _EPT // _NB
_ROWS_T = 624
_TAIL0 = _NSUB * _ROWS_T
_TAIL = _N - _TAIL0
_INIT_ROWS = 104
_INIT_CHUNKS = _ROWS_T // _INIT_ROWS
_LANES = 16


def _matmul_body(x_ref, w_ref, out_ref):
    out_ref[...] = jnp.dot(
        x_ref[...], w_ref[0],
        preferred_element_type=jnp.float32,
        precision=lax.Precision.HIGHEST,
    )


def _support_halves(x, weight_halves):
    return pl.pallas_call(
        _matmul_body,
        grid=(2,),
        in_specs=[
            pl.BlockSpec((_N, _D), lambda c: (0, 0)),
            pl.BlockSpec((1, _D, _HALF), lambda c: (c, 0, 0)),
        ],
        out_specs=pl.BlockSpec((_N, _HALF), lambda c: (c, 0)),
        out_shape=jax.ShapeDtypeStruct((2 * _N, _HALF), jnp.float32),
    )(x, weight_halves)


def _sc_body(support, src, dst, ew, bias, out,
             srcv, dstv, wv, rows, bbuf, bvec, acc):
    c = lax.axis_index("c")
    s = lax.axis_index("s")

    pltpu.sync_copy(src.at[c * _NSUB + s], srcv)
    pltpu.sync_copy(dst.at[s], dstv)
    pltpu.sync_copy(ew.at[s], wv)

    pltpu.sync_copy(bias.at[pl.ds(c * _HALF, _HALF)], bvec)
    bregs = [bvec[pl.ds(j * _LANES, _LANES)] for j in range(_HALF // _LANES)]

    def fill_row(r, carry):
        for j in range(_HALF // _LANES):
            bbuf[r, pl.ds(j * _LANES, _LANES)] = bregs[j]
        return carry

    lax.fori_loop(0, _INIT_ROWS, fill_row, 0)
    for k in range(_INIT_CHUNKS):
        pltpu.sync_copy(
            bbuf, acc.at[pl.ds(s * _ROWS_T + k * _INIT_ROWS, _INIT_ROWS)])

    @pl.when(s == _NSUB - 1)
    def _init_tail():
        pltpu.sync_copy(bbuf.at[pl.ds(0, _TAIL)],
                        acc.at[pl.ds(_TAIL0, _TAIL)])

    plsc.subcore_barrier()

    def blk(b, carry):
        pltpu.sync_copy(support.at[srcv.at[b]], rows)

        def group(g, gcarry):
            wv16 = wv[pl.ds(b * _NB + g * _LANES, _LANES)]
            for e in range(_LANES):
                wsplat = jnp.broadcast_to(wv16[e], (_LANES,))
                base = g * _LANES + e
                for j in range(_HALF // _LANES):
                    sl = pl.ds(j * _LANES, _LANES)
                    rows[base, sl] = rows[base, sl] * wsplat
            return gcarry

        lax.fori_loop(0, _NB // _LANES, group, 0)
        pltpu.sync_copy(rows, acc.at[dstv.at[b]], add=True)
        return carry

    lax.fori_loop(0, _NBLK, blk, 0)
    plsc.subcore_barrier()

    pltpu.sync_copy(acc.at[pl.ds(s * _ROWS_T, _ROWS_T)],
                    out.at[c, pl.ds(s * _ROWS_T, _ROWS_T)])

    @pl.when(s == _NSUB - 1)
    def _write_tail():
        pltpu.sync_copy(acc.at[pl.ds(_TAIL0, _TAIL)],
                        out.at[c, pl.ds(_TAIL0, _TAIL)])


_sc_call = functools.partial(
    pl.kernel,
    out_type=jax.ShapeDtypeStruct((2, _N, _HALF), jnp.float32),
    mesh=plsc.VectorSubcoreMesh(
        core_axis_name="c", subcore_axis_name="s",
        num_cores=2, num_subcores=16),
    scratch_types=[
        pltpu.VMEM((_NBLK, _NB), jnp.int32),
        pltpu.VMEM((_NBLK, _NB), jnp.int32),
        pltpu.VMEM((_EPT,), jnp.float32),
        pltpu.VMEM((_NB, _HALF), jnp.float32),
        pltpu.VMEM((_INIT_ROWS, _HALF), jnp.float32),
        pltpu.VMEM((_HALF,), jnp.float32),
        pltpu.VMEM_SHARED((_N, _HALF), jnp.float32),
    ],
    compiler_params=pltpu.CompilerParams(use_tc_tiling_on_sc=False),
)(_sc_body)


@jax.jit
def kernel(x, edge_index, edge_weight, weight, bias):
    weight_halves = weight.reshape(_D, 2, _HALF).transpose(1, 0, 2)
    support2 = _support_halves(x, weight_halves)
    src = edge_index[1].reshape(_NSUB, _NBLK, _NB)
    src_all = jnp.concatenate([src, src + _N], axis=0)
    dst = edge_index[0].reshape(_NSUB, _NBLK, _NB)
    ew = edge_weight.reshape(_NSUB, _EPT)
    out2 = _sc_call(support2, src_all, dst, ew, bias)
    return out2.transpose(1, 0, 2).reshape(_N, _D)

# --- scband reference (transcript-rebuilt; emitter-appended) ---
"""Pipeline reference for scband-graph-convolution-87565793231036 (READ-ONLY COPY).

The authoritative reference and input builder live on the scoring server;
editing this copy changes nothing except your own understanding.
"""

import jax, jax.numpy as jnp
import numpy as np

N = 10000
E = 320000
D_IN = 128
D_OUT = 128


def setup_inputs(seed: int = 0) -> dict:
    key = jax.random.key(seed)
    k1, k2, k3, k4 = jax.random.split(key, 4)
    x = jax.random.normal(k1, (N, D_IN), dtype=jnp.float32)
    edge_index = jax.random.randint(k2, (2, E), 0, N, dtype=jnp.int32)
    edge_weight = jax.random.uniform(k3, (E,), dtype=jnp.float32)
    # xavier_uniform init for weight
    limit = float(np.sqrt(6.0 / (D_IN + D_OUT)))
    weight = jax.random.uniform(k4, (D_IN, D_OUT), dtype=jnp.float32, minval=-limit, maxval=limit)
    bias = jnp.zeros((D_OUT,), dtype=jnp.float32)
    return {"x": x, "edge_index": edge_index, "edge_weight": edge_weight, "weight": weight, "bias": bias}


def reference(x, edge_index, edge_weight, weight, bias):
    # support = X @ W
    support = x @ weight
    # sparse adj (COO: row=edge_index[0] dst, col=edge_index[1] src) times support:
    # out[i] = sum_{e: row[e]=i} edge_weight[e] * support[col[e]]
    msgs = jnp.take(support, edge_index[1], axis=0) * edge_weight[:, None]
    out = jax.ops.segment_sum(msgs, edge_index[0], num_segments=N)
    return out + bias

if __name__ == "__main__":
    import jax
    _d = setup_inputs()
    print(jax.jit(kernel)(*tuple(_d.values())))

</pallas_src>

<mosaic_0001>
#map = affine_map<(d0, d1) -> (0, 0)>
#map1 = affine_map<(d0, d1) -> (0, 0, 0)>
#map2 = affine_map<(d0, d1) -> (0)>
module attributes {stable_mosaic.version = 14 : i64} {
  func.func @_sc_body(%arg0: i32, %arg1: i32, %arg2: memref<20000x64xf32, #tpu.memory_space<hbm>>, %arg3: memref<32x250x80xi32, #tpu.memory_space<hbm>>, %arg4: memref<16x250x80xi32, #tpu.memory_space<hbm>>, %arg5: memref<16x20000xf32, #tpu.memory_space<hbm>>, %arg6: memref<128xf32, #tpu.memory_space<hbm>>, %arg7: memref<2x10000x64xf32, #tpu.memory_space<hbm>>, %arg8: memref<250x80xi32, #tpu.memory_space<vmem>>, %arg9: memref<250x80xi32, #tpu.memory_space<vmem>>, %arg10: memref<20000xf32, #tpu.memory_space<vmem>>, %arg11: memref<80x64xf32, #tpu.memory_space<vmem>>, %arg12: memref<104x64xf32, #tpu.memory_space<vmem>>, %arg13: memref<64xf32, #tpu.memory_space<vmem>>, %arg14: memref<10000x64xf32, #tpu.memory_space<vmem_shared>>) attributes {dimension_semantics = [#tpu.dimension_semantics<core_parallel>, #tpu.dimension_semantics<subcore_parallel>], iteration_bounds = array<i64: 2, 16>, scalar_prefetch = 0 : i64, scratch_operands = 7 : i64, tpu.core_type = #tpu.core_type<sc_vector_subcore>, window_params = [{transform_indices = #map}, {transform_indices = #map1}, {transform_indices = #map1}, {transform_indices = #map}, {transform_indices = #map2}, {transform_indices = #map1}]} {
    %mul3A = arith.constant 16 : i32
    %mul3A_0 = arith.muli %arg0, %mul3A : i32
    %add3A = arith.addi %mul3A_0, %arg1 : i32
    "tpu.region"() ({
      %run_scoped3A = tpu.sem_alloc : memref<!tpu.dma_semaphore, #tpu.memory_space<semaphore_mem>>
      %dma_start3A = arith.constant 0 : i32
      %dma_start3A_61 = arith.constant 0 : i32
      %dma_start3A_62 = tpu.memref_slice %arg3[%add3A, %dma_start3A, %dma_start3A_61] : memref<32x250x80xi32, #tpu.memory_space<hbm>> -> memref<1x250x80xi32, #tpu.memory_space<hbm>>
      %dma_start3A_63 = tpu.memref_squeeze %dma_start3A_62 : memref<1x250x80xi32, #tpu.memory_space<hbm>> -> memref<250x80xi32, #tpu.memory_space<hbm>>
      %dma_start3A_64 = arith.constant 0 : i32
      %dma_start3A_65 = arith.constant 0 : i32
      %dma_start3A_66 = tpu.memref_slice %arg3[%add3A, %dma_start3A_64, %dma_start3A_65] : memref<32x250x80xi32, #tpu.memory_space<hbm>> -> memref<1x250x80xi32, #tpu.memory_space<hbm>>
      %dma_start3A_67 = tpu.memref_squeeze %dma_start3A_66 : memref<1x250x80xi32, #tpu.memory_space<hbm>> -> memref<250x80xi32, #tpu.memory_space<hbm>>
      tpu.enqueue_dma source(%dma_start3A_67 : memref<250x80xi32, #tpu.memory_space<hbm>>) target(%arg8 : memref<250x80xi32, #tpu.memory_space<vmem>>) target_semaphore(%run_scoped3A : memref<!tpu.dma_semaphore, #tpu.memory_space<semaphore_mem>>)
      %dma_wait3A = arith.constant 0 : i32
      %dma_wait3A_68 = arith.constant 0 : i32
      %dma_wait3A_69 = tpu.memref_slice %arg3[%add3A, %dma_wait3A, %dma_wait3A_68] : memref<32x250x80xi32, #tpu.memory_space<hbm>> -> memref<1x250x80xi32, #tpu.memory_space<hbm>>
      %dma_wait3A_70 = tpu.memref_squeeze %dma_wait3A_69 : memref<1x250x80xi32, #tpu.memory_space<hbm>> -> memref<250x80xi32, #tpu.memory_space<hbm>>
      %dma_wait3A_71 = arith.constant 0 : i32
      %dma_wait3A_72 = arith.constant 0 : i32
      %dma_wait3A_73 = tpu.memref_slice %arg3[%add3A, %dma_wait3A_71, %dma_wait3A_72] : memref<32x250x80xi32, #tpu.memory_space<hbm>> -> memref<1x250x80xi32, #tpu.memory_space<hbm>>
      %dma_wait3A_74 = tpu.memref_squeeze %dma_wait3A_73 : memref<1x250x80xi32, #tpu.memory_space<hbm>> -> memref<250x80xi32, #tpu.memory_space<hbm>>
      tpu.wait_dma2 semaphore(%run_scoped3A : memref<!tpu.dma_semaphore, #tpu.memory_space<semaphore_mem>>) src(%dma_wait3A_74 : memref<250x80xi32, #tpu.memory_space<hbm>>) dst(%arg8 : memref<250x80xi32, #tpu.memory_space<vmem>>)
      tpu.yield
    }) : () -> ()
    "tpu.region"() ({
      %run_scoped3A = tpu.sem_alloc : memref<!tpu.dma_semaphore, #tpu.memory_space<semaphore_mem>>
      %dma_start3A = arith.constant 0 : i32
      %dma_start3A_61 = arith.constant 0 : i32
      %dma_start3A_62 = tpu.memref_slice %arg4[%arg1, %dma_start3A, %dma_start3A_61] : memref<16x250x80xi32, #tpu.memory_space<hbm>> -> memref<1x250x80xi32, #tpu.memory_space<hbm>>
      %dma_start3A_63 = tpu.memref_squeeze %dma_start3A_62 : memref<1x250x80xi32, #tpu.memory_space<hbm>> -> memref<250x80xi32, #tpu.memory_space<hbm>>
      %dma_start3A_64 = arith.constant 0 : i32
      %dma_start3A_65 = arith.constant 0 : i32
      %dma_start3A_66 = tpu.memref_slice %arg4[%arg1, %dma_start3A_64, %dma_start3A_65] : memref<16x250x80xi32, #tpu.memory_space<hbm>> -> memref<1x250x80xi32, #tpu.memory_space<hbm>>
      %dma_start3A_67 = tpu.memref_squeeze %dma_start3A_66 : memref<1x250x80xi32, #tpu.memory_space<hbm>> -> memref<250x80xi32, #tpu.memory_space<hbm>>
      tpu.enqueue_dma source(%dma_start3A_67 : memref<250x80xi32, #tpu.memory_space<hbm>>) target(%arg9 : memref<250x80xi32, #tpu.memory_space<vmem>>) target_semaphore(%run_scoped3A : memref<!tpu.dma_semaphore, #tpu.memory_space<semaphore_mem>>)
      %dma_wait3A = arith.constant 0 : i32
      %dma_wait3A_68 = arith.constant 0 : i32
      %dma_wait3A_69 = tpu.memref_slice %arg4[%arg1, %dma_wait3A, %dma_wait3A_68] : memref<16x250x80xi32, #tpu.memory_space<hbm>> -> memref<1x250x80xi32, #tpu.memory_space<hbm>>
      %dma_wait3A_70 = tpu.memref_squeeze %dma_wait3A_69 : memref<1x250x80xi32, #tpu.memory_space<hbm>> -> memref<250x80xi32, #tpu.memory_space<hbm>>
      %dma_wait3A_71 = arith.constant 0 : i32
      %dma_wait3A_72 = arith.constant 0 : i32
      %dma_wait3A_73 = tpu.memref_slice %arg4[%arg1, %dma_wait3A_71, %dma_wait3A_72] : memref<16x250x80xi32, #tpu.memory_space<hbm>> -> memref<1x250x80xi32, #tpu.memory_space<hbm>>
      %dma_wait3A_74 = tpu.memref_squeeze %dma_wait3A_73 : memref<1x250x80xi32, #tpu.memory_space<hbm>> -> memref<250x80xi32, #tpu.memory_space<hbm>>
      tpu.wait_dma2 semaphore(%run_scoped3A : memref<!tpu.dma_semaphore, #tpu.memory_space<semaphore_mem>>) src(%dma_wait3A_74 : memref<250x80xi32, #tpu.memory_space<hbm>>) dst(%arg9 : memref<250x80xi32, #tpu.memory_space<vmem>>)
      tpu.yield
    }) : () -> ()
    "tpu.region"() ({
      %run_scoped3A = tpu.sem_alloc : memref<!tpu.dma_semaphore, #tpu.memory_space<semaphore_mem>>
      %dma_start3A = arith.constant 0 : i32
      %dma_start3A_61 = tpu.memref_slice %arg5[%arg1, %dma_start3A] : memref<16x20000xf32, #tpu.memory_space<hbm>> -> memref<1x20000xf32, #tpu.memory_space<hbm>>
      %dma_start3A_62 = tpu.memref_squeeze %dma_start3A_61 : memref<1x20000xf32, #tpu.memory_space<hbm>> -> memref<20000xf32, #tpu.memory_space<hbm>>
      %dma_start3A_63 = arith.constant 0 : i32
      %dma_start3A_64 = tpu.memref_slice %arg5[%arg1, %dma_start3A_63] : memref<16x20000xf32, #tpu.memory_space<hbm>> -> memref<1x20000xf32, #tpu.memory_space<hbm>>
      %dma_start3A_65 = tpu.memref_squeeze %dma_start3A_64 : memref<1x20000xf32, #tpu.memory_space<hbm>> -> memref<20000xf32, #tpu.memory_space<hbm>>
      tpu.enqueue_dma source(%dma_start3A_65 : memref<20000xf32, #tpu.memory_space<hbm>>) target(%arg10 : memref<20000xf32, #tpu.memory_space<vmem>>) target_semaphore(%run_scoped3A : memref<!tpu.dma_semaphore, #tpu.memory_space<semaphore_mem>>)
      %dma_wait3A = arith.constant 0 : i32
      %dma_wait3A_66 = tpu.memref_slice %arg5[%arg1, %dma_wait3A] : memref<16x20000xf32, #tpu.memory_space<hbm>> -> memref<1x20000xf32, #tpu.memory_space<hbm>>
      %dma_wait3A_67 = tpu.memref_squeeze %dma_wait3A_66 : memref<1x20000xf32, #tpu.memory_space<hbm>> -> memref<20000xf32, #tpu.memory_space<hbm>>
      %dma_wait3A_68 = arith.constant 0 : i32
      %dma_wait3A_69 = tpu.memref_slice %arg5[%arg1, %dma_wait3A_68] : memref<16x20000xf32, #tpu.memory_space<hbm>> -> memref<1x20000xf32, #tpu.memory_space<hbm>>
      %dma_wait3A_70 = tpu.memref_squeeze %dma_wait3A_69 : memref<1x20000xf32, #tpu.memory_space<hbm>> -> memref<20000xf32, #tpu.memory_space<hbm>>
      tpu.wait_dma2 semaphore(%run_scoped3A : memref<!tpu.dma_semaphore, #tpu.memory_space<semaphore_mem>>) src(%dma_wait3A_70 : memref<20000xf32, #tpu.memory_space<hbm>>) dst(%arg10 : memref<20000xf32, #tpu.memory_space<vmem>>)
      tpu.yield
    }) : () -> ()
    %mul3A_1 = arith.constant 64 : i32
    %mul3A_2 = arith.muli %arg0, %mul3A_1 : i32
    "tpu.region"() ({
      %run_scoped3A = tpu.sem_alloc : memref<!tpu.dma_semaphore, #tpu.memory_space<semaphore_mem>>
      %dma_start3A = tpu.memref_slice %arg6[%mul3A_2] : memref<128xf32, #tpu.memory_space<hbm>> -> memref<64xf32, #tpu.memory_space<hbm>>
      %dma_start3A_61 = tpu.memref_slice %arg6[%mul3A_2] : memref<128xf32, #tpu.memory_space<hbm>> -> memref<64xf32, #tpu.memory_space<hbm>>
      tpu.enqueue_dma source(%dma_start3A_61 : memref<64xf32, #tpu.memory_space<hbm>>) target(%arg13 : memref<64xf32, #tpu.memory_space<vmem>>) target_semaphore(%run_scoped3A : memref<!tpu.dma_semaphore, #tpu.memory_space<semaphore_mem>>)
      %dma_wait3A = tpu.memref_slice %arg6[%mul3A_2] : memref<128xf32, #tpu.memory_space<hbm>> -> memref<64xf32, #tpu.memory_space<hbm>>
      %dma_wait3A_62 = tpu.memref_slice %arg6[%mul3A_2] : memref<128xf32, #tpu.memory_space<hbm>> -> memref<64xf32, #tpu.memory_space<hbm>>
      tpu.wait_dma2 semaphore(%run_scoped3A : memref<!tpu.dma_semaphore, #tpu.memory_space<semaphore_mem>>) src(%dma_wait3A_62 : memref<64xf32, #tpu.memory_space<hbm>>) dst(%arg13 : memref<64xf32, #tpu.memory_space<vmem>>)
      tpu.yield
    }) : () -> ()
    %get3A = arith.constant 0 : index
    %get3A_3 = tpu.vector_load %arg13[%get3A] {strides = array<i32>} : memref<64xf32, #tpu.memory_space<vmem>>, vector<16xf32>,
    %get3A_4 = vector.shape_cast %get3A_3 : vector<16xf32> to vector<16xf32>
    %get3A_5 = arith.constant 16 : index
    %get3A_6 = tpu.vector_load %arg13[%get3A_5] {strides = array<i32>} : memref<64xf32, #tpu.memory_space<vmem>>, vector<16xf32>,
    %get3A_7 = vector.shape_cast %get3A_6 : vector<16xf32> to vector<16xf32>
    %get3A_8 = arith.constant 32 : index
    %get3A_9 = tpu.vector_load %arg13[%get3A_8] {strides = array<i32>} : memref<64xf32, #tpu.memory_space<vmem>>, vector<16xf32>,
    %get3A_10 = vector.shape_cast %get3A_9 : vector<16xf32> to vector<16xf32>
    %get3A_11 = arith.constant 48 : index
    %get3A_12 = tpu.vector_load %arg13[%get3A_11] {strides = array<i32>} : memref<64xf32, #tpu.memory_space<vmem>>, vector<16xf32>,
    %get3A_13 = vector.shape_cast %get3A_12 : vector<16xf32> to vector<16xf32>
    %scan3A = arith.constant 0 : i32
    %scan3A_14 = arith.constant 0 : i32
    %scan3A_15 = arith.constant 104 : i32
    %scan3A_16 = arith.addi %scan3A_14, %scan3A_15 : i32
    %scan3A_17 = arith.constant 1 : i32
    scf.for %scan3A_61 = %scan3A_14 to %scan3A_16 step %scan3A_17  : i32 {
      %swap3A = arith.index_cast %scan3A_61 : i32 to index
      %swap3A_62 = arith.constant 0 : index
      %swap3A_63 = tpu.vector_load %arg12[%swap3A, %swap3A_62] {strides = array<i32>} : memref<104x64xf32, #tpu.memory_space<vmem>>, vector<1x16xf32>,
      %swap3A_64 = vector.shape_cast %swap3A_63 : vector<1x16xf32> to vector<16xf32>
      %swap3A_65 = vector.shape_cast %get3A_4 : vector<16xf32> to vector<1x16xf32>
      tpu.vector_store %arg12[%swap3A, %swap3A_62], %swap3A_65 {strides = array<i32>} : memref<104x64xf32, #tpu.memory_space<vmem>>, vector<1x16xf32>,
      %swap3A_66 = arith.index_cast %scan3A_61 : i32 to index
      %swap3A_67 = arith.constant 16 : index
      %swap3A_68 = tpu.vector_load %arg12[%swap3A_66, %swap3A_67] {strides = array<i32>} : memref<104x64xf32, #tpu.memory_space<vmem>>, vector<1x16xf32>,
      %swap3A_69 = vector.shape_cast %swap3A_68 : vector<1x16xf32> to vector<16xf32>
      %swap3A_70 = vector.shape_cast %get3A_7 : vector<16xf32> to vector<1x16xf32>
      tpu.vector_store %arg12[%swap3A_66, %swap3A_67], %swap3A_70 {strides = array<i32>} : memref<104x64xf32, #tpu.memory_space<vmem>>, vector<1x16xf32>,
      %swap3A_71 = arith.index_cast %scan3A_61 : i32 to index
      %swap3A_72 = arith.constant 32 : index
      %swap3A_73 = tpu.vector_load %arg12[%swap3A_71, %swap3A_72] {strides = array<i32>} : memref<104x64xf32, #tpu.memory_space<vmem>>, vector<1x16xf32>,
      %swap3A_74 = vector.shape_cast %swap3A_73 : vector<1x16xf32> to vector<16xf32>
      %swap3A_75 = vector.shape_cast %get3A_10 : vector<16xf32> to vector<1x16xf32>
      tpu.vector_store %arg12[%swap3A_71, %swap3A_72], %swap3A_75 {strides = array<i32>} : memref<104x64xf32, #tpu.memory_space<vmem>>, vector<1x16xf32>,
      %swap3A_76 = arith.index_cast %scan3A_61 : i32 to index
      %swap3A_77 = arith.constant 48 : index
      %swap3A_78 = tpu.vector_load %arg12[%swap3A_76, %swap3A_77] {strides = array<i32>} : memref<104x64xf32, #tpu.memory_space<vmem>>, vector<1x16xf32>,
      %swap3A_79 = vector.shape_cast %swap3A_78 : vector<1x16xf32> to vector<16xf32>
      %swap3A_80 = vector.shape_cast %get3A_13 : vector<16xf32> to vector<1x16xf32>
      tpu.vector_store %arg12[%swap3A_76, %swap3A_77], %swap3A_80 {strides = array<i32>} : memref<104x64xf32, #tpu.memory_space<vmem>>, vector<1x16xf32>,
    }
    %scan3A_18 = arith.constant 104 : i32
    %mul3A_19 = arith.constant 624 : i32
    %mul3A_20 = arith.muli %arg1, %mul3A_19 : i32
    %add3A_21 = arith.constant 0 : i32
    %add3A_22 = arith.addi %mul3A_20, %add3A_21 : i32
    "tpu.region"() ({
      %run_scoped3A = tpu.sem_alloc : memref<!tpu.dma_semaphore, #tpu.memory_space<semaphore_mem>>
      %dma_start3A = arith.constant 0 : i32
      %dma_start3A_61 = tpu.memref_slice %arg14[%add3A_22, %dma_start3A] : memref<10000x64xf32, #tpu.memory_space<vmem_shared>> -> memref<104x64xf32, #tpu.memory_space<vmem_shared>>
      %dma_start3A_62 = arith.constant 0 : i32
      %dma_start3A_63 = tpu.memref_slice %arg14[%add3A_22, %dma_start3A_62] : memref<10000x64xf32, #tpu.memory_space<vmem_shared>> -> memref<104x64xf32, #tpu.memory_space<vmem_shared>>
      tpu.enqueue_dma source(%arg12 : memref<104x64xf32, #tpu.memory_space<vmem>>) target(%dma_start3A_63 : memref<104x64xf32, #tpu.memory_space<vmem_shared>>) target_semaphore(%run_scoped3A : memref<!tpu.dma_semaphore, #tpu.memory_space<semaphore_mem>>)
      %dma_wait3A = arith.constant 0 : i32
      %dma_wait3A_64 = tpu.memref_slice %arg14[%add3A_22, %dma_wait3A] : memref<10000x64xf32, #tpu.memory_space<vmem_shared>> -> memref<104x64xf32, #tpu.memory_space<vmem_shared>>
      %dma_wait3A_65 = arith.constant 0 : i32
      %dma_wait3A_66 = tpu.memref_slice %arg14[%add3A_22, %dma_wait3A_65] : memref<10000x64xf32, #tpu.memory_space<vmem_shared>> -> memref<104x64xf32, #tpu.memory_space<vmem_shared>>
      tpu.wait_dma2 semaphore(%run_scoped3A : memref<!tpu.dma_semaphore, #tpu.memory_space<semaphore_mem>>) src(%arg12 : memref<104x64xf32, #tpu.memory_space<vmem>>) dst(%dma_wait3A_66 : memref<104x64xf32, #tpu.memory_space<vmem_shared>>)
      tpu.yield
    }) : () -> ()
    %mul3A_23 = arith.constant 624 : i32
    %mul3A_24 = arith.muli %arg1, %mul3A_23 : i32
    %add3A_25 = arith.constant 104 : i32
    %add3A_26 = arith.addi %mul3A_24, %add3A_25 : i32
    "tpu.region"() ({
      %run_scoped3A = tpu.sem_alloc : memref<!tpu.dma_semaphore, #tpu.memory_space<semaphore_mem>>
      %dma_start3A = arith.constant 0 : i32
      %dma_start3A_61 = tpu.memref_slice %arg14[%add3A_26, %dma_start3A] : memref<10000x64xf32, #tpu.memory_space<vmem_shared>> -> memref<104x64xf32, #tpu.memory_space<vmem_shared>>
      %dma_start3A_62 = arith.constant 0 : i32
      %dma_start3A_63 = tpu.memref_slice %arg14[%add3A_26, %dma_start3A_62] : memref<10000x64xf32, #tpu.memory_space<vmem_shared>> -> memref<104x64xf32, #tpu.memory_space<vmem_shared>>
      tpu.enqueue_dma source(%arg12 : memref<104x64xf32, #tpu.memory_space<vmem>>) target(%dma_start3A_63 : memref<104x64xf32, #tpu.memory_space<vmem_shared>>) target_semaphore(%run_scoped3A : memref<!tpu.dma_semaphore, #tpu.memory_space<semaphore_mem>>)
      %dma_wait3A = arith.constant 0 : i32
      %dma_wait3A_64 = tpu.memref_slice %arg14[%add3A_26, %dma_wait3A] : memref<10000x64xf32, #tpu.memory_space<vmem_shared>> -> memref<104x64xf32, #tpu.memory_space<vmem_shared>>
      %dma_wait3A_65 = arith.constant 0 : i32
      %dma_wait3A_66 = tpu.memref_slice %arg14[%add3A_26, %dma_wait3A_65] : memref<10000x64xf32, #tpu.memory_space<vmem_shared>> -> memref<104x64xf32, #tpu.memory_space<vmem_shared>>
      tpu.wait_dma2 semaphore(%run_scoped3A : memref<!tpu.dma_semaphore, #tpu.memory_space<semaphore_mem>>) src(%arg12 : memref<104x64xf32, #tpu.memory_space<vmem>>) dst(%dma_wait3A_66 : memref<104x64xf32, #tpu.memory_space<vmem_shared>>)
      tpu.yield
    }) : () -> ()
    %mul3A_27 = arith.constant 624 : i32
    %mul3A_28 = arith.muli %arg1, %mul3A_27 : i32
    %add3A_29 = arith.constant 208 : i32
    %add3A_30 = arith.addi %mul3A_28, %add3A_29 : i32
    "tpu.region"() ({
      %run_scoped3A = tpu.sem_alloc : memref<!tpu.dma_semaphore, #tpu.memory_space<semaphore_mem>>
      %dma_start3A = arith.constant 0 : i32
      %dma_start3A_61 = tpu.memref_slice %arg14[%add3A_30, %dma_start3A] : memref<10000x64xf32, #tpu.memory_space<vmem_shared>> -> memref<104x64xf32, #tpu.memory_space<vmem_shared>>
      %dma_start3A_62 = arith.constant 0 : i32
      %dma_start3A_63 = tpu.memref_slice %arg14[%add3A_30, %dma_start3A_62] : memref<10000x64xf32, #tpu.memory_space<vmem_shared>> -> memref<104x64xf32, #tpu.memory_space<vmem_shared>>
      tpu.enqueue_dma source(%arg12 : memref<104x64xf32, #tpu.memory_space<vmem>>) target(%dma_start3A_63 : memref<104x64xf32, #tpu.memory_space<vmem_shared>>) target_semaphore(%run_scoped3A : memref<!tpu.dma_semaphore, #tpu.memory_space<semaphore_mem>>)
      %dma_wait3A = arith.constant 0 : i32
      %dma_wait3A_64 = tpu.memref_slice %arg14[%add3A_30, %dma_wait3A] : memref<10000x64xf32, #tpu.memory_space<vmem_shared>> -> memref<104x64xf32, #tpu.memory_space<vmem_shared>>
      %dma_wait3A_65 = arith.constant 0 : i32
      %dma_wait3A_66 = tpu.memref_slice %arg14[%add3A_30, %dma_wait3A_65] : memref<10000x64xf32, #tpu.memory_space<vmem_shared>> -> memref<104x64xf32, #tpu.memory_space<vmem_shared>>
      tpu.wait_dma2 semaphore(%run_scoped3A : memref<!tpu.dma_semaphore, #tpu.memory_space<semaphore_mem>>) src(%arg12 : memref<104x64xf32, #tpu.memory_space<vmem>>) dst(%dma_wait3A_66 : memref<104x64xf32, #tpu.memory_space<vmem_shared>>)
      tpu.yield
    }) : () -> ()
    %mul3A_31 = arith.constant 624 : i32
    %mul3A_32 = arith.muli %arg1, %mul3A_31 : i32
    %add3A_33 = arith.constant 312 : i32
    %add3A_34 = arith.addi %mul3A_32, %add3A_33 : i32
    "tpu.region"() ({
      %run_scoped3A = tpu.sem_alloc : memref<!tpu.dma_semaphore, #tpu.memory_space<semaphore_mem>>
      %dma_start3A = arith.constant 0 : i32
      %dma_start3A_61 = tpu.memref_slice %arg14[%add3A_34, %dma_start3A] : memref<10000x64xf32, #tpu.memory_space<vmem_shared>> -> memref<104x64xf32, #tpu.memory_space<vmem_shared>>
      %dma_start3A_62 = arith.constant 0 : i32
      %dma_start3A_63 = tpu.memref_slice %arg14[%add3A_34, %dma_start3A_62] : memref<10000x64xf32, #tpu.memory_space<vmem_shared>> -> memref<104x64xf32, #tpu.memory_space<vmem_shared>>
      tpu.enqueue_dma source(%arg12 : memref<104x64xf32, #tpu.memory_space<vmem>>) target(%dma_start3A_63 : memref<104x64xf32, #tpu.memory_space<vmem_shared>>) target_semaphore(%run_scoped3A : memref<!tpu.dma_semaphore, #tpu.memory_space<semaphore_mem>>)
      %dma_wait3A = arith.constant 0 : i32
      %dma_wait3A_64 = tpu.memref_slice %arg14[%add3A_34, %dma_wait3A] : memref<10000x64xf32, #tpu.memory_space<vmem_shared>> -> memref<104x64xf32, #tpu.memory_space<vmem_shared>>
      %dma_wait3A_65 = arith.constant 0 : i32
      %dma_wait3A_66 = tpu.memref_slice %arg14[%add3A_34, %dma_wait3A_65] : memref<10000x64xf32, #tpu.memory_space<vmem_shared>> -> memref<104x64xf32, #tpu.memory_space<vmem_shared>>
      tpu.wait_dma2 semaphore(%run_scoped3A : memref<!tpu.dma_semaphore, #tpu.memory_space<semaphore_mem>>) src(%arg12 : memref<104x64xf32, #tpu.memory_space<vmem>>) dst(%dma_wait3A_66 : memref<104x64xf32, #tpu.memory_space<vmem_shared>>)
      tpu.yield
    }) : () -> ()
    %mul3A_35 = arith.constant 624 : i32
    %mul3A_36 = arith.muli %arg1, %mul3A_35 : i32
    %add3A_37 = arith.constant 416 : i32
    %add3A_38 = arith.addi %mul3A_36, %add3A_37 : i32
    "tpu.region"() ({
      %run_scoped3A = tpu.sem_alloc : memref<!tpu.dma_semaphore, #tpu.memory_space<semaphore_mem>>
      %dma_start3A = arith.constant 0 : i32
      %dma_start3A_61 = tpu.memref_slice %arg14[%add3A_38, %dma_start3A] : memref<10000x64xf32, #tpu.memory_space<vmem_shared>> -> memref<104x64xf32, #tpu.memory_space<vmem_shared>>
      %dma_start3A_62 = arith.constant 0 : i32
      %dma_start3A_63 = tpu.memref_slice %arg14[%add3A_38, %dma_start3A_62] : memref<10000x64xf32, #tpu.memory_space<vmem_shared>> -> memref<104x64xf32, #tpu.memory_space<vmem_shared>>
      tpu.enqueue_dma source(%arg12 : memref<104x64xf32, #tpu.memory_space<vmem>>) target(%dma_start3A_63 : memref<104x64xf32, #tpu.memory_space<vmem_shared>>) target_semaphore(%run_scoped3A : memref<!tpu.dma_semaphore, #tpu.memory_space<semaphore_mem>>)
      %dma_wait3A = arith.constant 0 : i32
      %dma_wait3A_64 = tpu.memref_slice %arg14[%add3A_38, %dma_wait3A] : memref<10000x64xf32, #tpu.memory_space<vmem_shared>> -> memref<104x64xf32, #tpu.memory_space<vmem_shared>>
      %dma_wait3A_65 = arith.constant 0 : i32
      %dma_wait3A_66 = tpu.memref_slice %arg14[%add3A_38, %dma_wait3A_65] : memref<10000x64xf32, #tpu.memory_space<vmem_shared>> -> memref<104x64xf32, #tpu.memory_space<vmem_shared>>
      tpu.wait_dma2 semaphore(%run_scoped3A : memref<!tpu.dma_semaphore, #tpu.memory_space<semaphore_mem>>) src(%arg12 : memref<104x64xf32, #tpu.memory_space<vmem>>) dst(%dma_wait3A_66 : memref<104x64xf32, #tpu.memory_space<vmem_shared>>)
      tpu.yield
    }) : () -> ()
    %mul3A_39 = arith.constant 624 : i32
    %mul3A_40 = arith.muli %arg1, %mul3A_39 : i32
    %add3A_41 = arith.constant 520 : i32
    %add3A_42 = arith.addi %mul3A_40, %add3A_41 : i32
    "tpu.region"() ({
      %run_scoped3A = tpu.sem_alloc : memref<!tpu.dma_semaphore, #tpu.memory_space<semaphore_mem>>
      %dma_start3A = arith.constant 0 : i32
      %dma_start3A_61 = tpu.memref_slice %arg14[%add3A_42, %dma_start3A] : memref<10000x64xf32, #tpu.memory_space<vmem_shared>> -> memref<104x64xf32, #tpu.memory_space<vmem_shared>>
      %dma_start3A_62 = arith.constant 0 : i32
      %dma_start3A_63 = tpu.memref_slice %arg14[%add3A_42, %dma_start3A_62] : memref<10000x64xf32, #tpu.memory_space<vmem_shared>> -> memref<104x64xf32, #tpu.memory_space<vmem_shared>>
      tpu.enqueue_dma source(%arg12 : memref<104x64xf32, #tpu.memory_space<vmem>>) target(%dma_start3A_63 : memref<104x64xf32, #tpu.memory_space<vmem_shared>>) target_semaphore(%run_scoped3A : memref<!tpu.dma_semaphore, #tpu.memory_space<semaphore_mem>>)
      %dma_wait3A = arith.constant 0 : i32
      %dma_wait3A_64 = tpu.memref_slice %arg14[%add3A_42, %dma_wait3A] : memref<10000x64xf32, #tpu.memory_space<vmem_shared>> -> memref<104x64xf32, #tpu.memory_space<vmem_shared>>
      %dma_wait3A_65 = arith.constant 0 : i32
      %dma_wait3A_66 = tpu.memref_slice %arg14[%add3A_42, %dma_wait3A_65] : memref<10000x64xf32, #tpu.memory_space<vmem_shared>> -> memref<104x64xf32, #tpu.memory_space<vmem_shared>>
      tpu.wait_dma2 semaphore(%run_scoped3A : memref<!tpu.dma_semaphore, #tpu.memory_space<semaphore_mem>>) src(%arg12 : memref<104x64xf32, #tpu.memory_space<vmem>>) dst(%dma_wait3A_66 : memref<104x64xf32, #tpu.memory_space<vmem_shared>>)
      tpu.yield
    }) : () -> ()
    %eq3A = arith.constant 15 : i32
    %eq3A_43 = arith.cmpi eq, %arg1, %eq3A : i32
    %convert_element_type3A = arith.extui %eq3A_43 : i1 to i32
    %cond3A = arith.constant 0 : i32
    %cond3A_44 = arith.cmpi ne, %convert_element_type3A, %cond3A : i32
    scf.if %cond3A_44 {
      "tpu.region"() ({
        %run_scoped3A = tpu.sem_alloc : memref<!tpu.dma_semaphore, #tpu.memory_space<semaphore_mem>>
        %dma_start3A = arith.constant 0 : i32
        %dma_start3A_61 = arith.constant 0 : i32
        %dma_start3A_62 = tpu.memref_slice %arg12[%dma_start3A, %dma_start3A_61] : memref<104x64xf32, #tpu.memory_space<vmem>> -> memref<16x64xf32, #tpu.memory_space<vmem>>
        %dma_start3A_63 = arith.constant 9984 : i32
        %dma_start3A_64 = arith.constant 0 : i32
        %dma_start3A_65 = tpu.memref_slice %arg14[%dma_start3A_63, %dma_start3A_64] : memref<10000x64xf32, #tpu.memory_space<vmem_shared>> -> memref<16x64xf32, #tpu.memory_space<vmem_shared>>
        %dma_start3A_66 = arith.constant 9984 : i32
        %dma_start3A_67 = arith.constant 0 : i32
        %dma_start3A_68 = tpu.memref_slice %arg14[%dma_start3A_66, %dma_start3A_67] : memref<10000x64xf32, #tpu.memory_space<vmem_shared>> -> memref<16x64xf32, #tpu.memory_space<vmem_shared>>
        %dma_start3A_69 = arith.constant 0 : i32
        %dma_start3A_70 = arith.constant 0 : i32
        %dma_start3A_71 = tpu.memref_slice %arg12[%dma_start3A_69, %dma_start3A_70] : memref<104x64xf32, #tpu.memory_space<vmem>> -> memref<16x64xf32, #tpu.memory_space<vmem>>
        tpu.enqueue_dma source(%dma_start3A_71 : memref<16x64xf32, #tpu.memory_space<vmem>>) target(%dma_start3A_68 : memref<16x64xf32, #tpu.memory_space<vmem_shared>>) target_semaphore(%run_scoped3A : memref<!tpu.dma_semaphore, #tpu.memory_space<semaphore_mem>>)
        %dma_wait3A = arith.constant 0 : i32
        %dma_wait3A_72 = arith.constant 0 : i32
        %dma_wait3A_73 = tpu.memref_slice %arg12[%dma_wait3A, %dma_wait3A_72] : memref<104x64xf32, #tpu.memory_space<vmem>> -> memref<16x64xf32, #tpu.memory_space<vmem>>
        %dma_wait3A_74 = arith.constant 9984 : i32
        %dma_wait3A_75 = arith.constant 0 : i32
        %dma_wait3A_76 = tpu.memref_slice %arg14[%dma_wait3A_74, %dma_wait3A_75] : memref<10000x64xf32, #tpu.memory_space<vmem_shared>> -> memref<16x64xf32, #tpu.memory_space<vmem_shared>>
        %dma_wait3A_77 = arith.constant 9984 : i32
        %dma_wait3A_78 = arith.constant 0 : i32
        %dma_wait3A_79 = tpu.memref_slice %arg14[%dma_wait3A_77, %dma_wait3A_78] : memref<10000x64xf32, #tpu.memory_space<vmem_shared>> -> memref<16x64xf32, #tpu.memory_space<vmem_shared>>
        %dma_wait3A_80 = arith.constant 0 : i32
        %dma_wait3A_81 = arith.constant 0 : i32
        %dma_wait3A_82 = tpu.memref_slice %arg12[%dma_wait3A_80, %dma_wait3A_81] : memref<104x64xf32, #tpu.memory_space<vmem>> -> memref<16x64xf32, #tpu.memory_space<vmem>>
        tpu.wait_dma2 semaphore(%run_scoped3A : memref<!tpu.dma_semaphore, #tpu.memory_space<semaphore_mem>>) src(%dma_wait3A_82 : memref<16x64xf32, #tpu.memory_space<vmem>>) dst(%dma_wait3A_79 : memref<16x64xf32, #tpu.memory_space<vmem_shared>>)
        tpu.yield
      }) : () -> ()
    } else {
    }
    %barrier3A = arith.constant 0 : index
    tpu.barrier barrier_id(%barrier3A)
    %scan3A_45 = arith.constant 0 : i32
    %scan3A_46 = arith.constant 0 : i32
    %scan3A_47 = arith.constant 250 : i32
    %scan3A_48 = arith.addi %scan3A_46, %scan3A_47 : i32
    %scan3A_49 = arith.constant 1 : i32
    scf.for %scan3A_61 = %scan3A_46 to %scan3A_48 step %scan3A_49  : i32 {
      "tpu.region"() ({
        %run_scoped3A = tpu.sem_alloc : memref<!tpu.dma_semaphore, #tpu.memory_space<semaphore_mem>>
        %dma_start3A = arith.constant 0 : i32
        %dma_start3A_68 = tpu.memref_slice %arg8[%scan3A_61, %dma_start3A] : memref<250x80xi32, #tpu.memory_space<vmem>> -> memref<1x80xi32, #tpu.memory_space<vmem>>
        %dma_start3A_69 = tpu.memref_squeeze %dma_start3A_68 : memref<1x80xi32, #tpu.memory_space<vmem>> -> memref<80xi32, #tpu.memory_space<vmem>>
        %dma_start3A_70 = arith.constant 0 : i32
        %dma_start3A_71 = arith.constant 0 : i32
        %dma_start3A_72 = tpu.memref_slice %arg2[%dma_start3A_70, %dma_start3A_71] : memref<20000x64xf32, #tpu.memory_space<hbm>> -> memref<20000x64xf32, #tpu.memory_space<hbm>>
        tpu.enqueue_indirect_dma source(%dma_start3A_72 : memref<20000x64xf32, #tpu.memory_space<hbm>>) target(%arg11 : memref<80x64xf32, #tpu.memory_space<vmem>>) offsets(%dma_start3A_69 : memref<80xi32, #tpu.memory_space<vmem>>) semaphore(%run_scoped3A : memref<!tpu.dma_semaphore, #tpu.memory_space<semaphore_mem>>)
        %dma_wait3A = arith.constant 0 : i32
        %dma_wait3A_73 = tpu.memref_slice %arg8[%scan3A_61, %dma_wait3A] : memref<250x80xi32, #tpu.memory_space<vmem>> -> memref<1x80xi32, #tpu.memory_space<vmem>>
        %dma_wait3A_74 = tpu.memref_squeeze %dma_wait3A_73 : memref<1x80xi32, #tpu.memory_space<vmem>> -> memref<80xi32, #tpu.memory_space<vmem>>
        %dma_wait3A_75 = arith.constant 0 : i32
        %dma_wait3A_76 = arith.constant 0 : i32
        %dma_wait3A_77 = tpu.memref_slice %arg2[%dma_wait3A_75, %dma_wait3A_76] : memref<20000x64xf32, #tpu.memory_space<hbm>> -> memref<20000x64xf32, #tpu.memory_space<hbm>>
        tpu.wait_indirect_dma semaphore(%run_scoped3A : memref<!tpu.dma_semaphore, #tpu.memory_space<semaphore_mem>>) src(%dma_wait3A_77 : memref<20000x64xf32, #tpu.memory_space<hbm>>) dst(%arg11 : memref<80x64xf32, #tpu.memory_space<vmem>>)
        tpu.yield
      }) : () -> ()
      %scan3A_62 = arith.constant 0 : i32
      %scan3A_63 = arith.constant 0 : i32
      %scan3A_64 = arith.constant 5 : i32
      %scan3A_65 = arith.addi %scan3A_63, %scan3A_64 : i32
      %scan3A_66 = arith.constant 1 : i32
      scf.for %scan3A_68 = %scan3A_63 to %scan3A_65 step %scan3A_66  : i32 {
        %mul3A_69 = arith.constant 80 : i32
        %mul3A_70 = arith.muli %scan3A_61, %mul3A_69 : i32
        %mul3A_71 = arith.constant 16 : i32
        %mul3A_72 = arith.muli %scan3A_68, %mul3A_71 : i32
        %add3A_73 = arith.addi %mul3A_70, %mul3A_72 : i32
        %get3A_74 = arith.index_cast %add3A_73 : i32 to index
        %get3A_75 = tpu.vector_load %arg10[%get3A_74] {strides = array<i32>} : memref<20000xf32, #tpu.memory_space<vmem>>, vector<16xf32>,
        %get3A_76 = vector.shape_cast %get3A_75 : vector<16xf32> to vector<16xf32>
        %slice3A = vector.extract_strided_slice %get3A_76 {offsets = [0], sizes = [1], strides = [1]} : vector<16xf32> to vector<1xf32>
        %squeeze3A = vector.extract %slice3A[0] : f32 from vector<1xf32>
        %broadcast_in_dim3A = vector.broadcast %squeeze3A : f32 to vector<16xf32>
        %mul3A_77 = arith.constant 16 : i32
        %mul3A_78 = arith.muli %scan3A_68, %mul3A_77 : i32
        %add3A_79 = arith.constant 0 : i32
        %add3A_80 = arith.addi %mul3A_78, %add3A_79 : i32
        %get3A_81 = arith.index_cast %add3A_80 : i32 to index
        %get3A_82 = arith.constant 0 : index
        %get3A_83 = tpu.vector_load %arg11[%get3A_81, %get3A_82] {strides = array<i32>} : memref<80x64xf32, #tpu.memory_space<vmem>>, vector<1x16xf32>,
        %get3A_84 = vector.shape_cast %get3A_83 : vector<1x16xf32> to vector<16xf32>
        %mul3A_85 = arith.mulf %get3A_84, %broadcast_in_dim3A : vector<16xf32>
        %swap3A = arith.index_cast %add3A_80 : i32 to index
        %swap3A_86 = arith.constant 0 : index
        %swap3A_87 = tpu.vector_load %arg11[%swap3A, %swap3A_86] {strides = array<i32>} : memref<80x64xf32, #tpu.memory_space<vmem>>, vector<1x16xf32>,
        %swap3A_88 = vector.shape_cast %swap3A_87 : vector<1x16xf32> to vector<16xf32>
        %swap3A_89 = vector.shape_cast %mul3A_85 : vector<16xf32> to vector<1x16xf32>
        tpu.vector_store %arg11[%swap3A, %swap3A_86], %swap3A_89 {strides = array<i32>} : memref<80x64xf32, #tpu.memory_space<vmem>>, vector<1x16xf32>,
        %get3A_90 = arith.index_cast %add3A_80 : i32 to index
        %get3A_91 = arith.constant 16 : index
        %get3A_92 = tpu.vector_load %arg11[%get3A_90, %get3A_91] {strides = array<i32>} : memref<80x64xf32, #tpu.memory_space<vmem>>, vector<1x16xf32>,
        %get3A_93 = vector.shape_cast %get3A_92 : vector<1x16xf32> to vector<16xf32>
        %mul3A_94 = arith.mulf %get3A_93, %broadcast_in_dim3A : vector<16xf32>
        %swap3A_95 = arith.index_cast %add3A_80 : i32 to index
        %swap3A_96 = arith.constant 16 : index
        %swap3A_97 = tpu.vector_load %arg11[%swap3A_95, %swap3A_96] {strides = array<i32>} : memref<80x64xf32, #tpu.memory_space<vmem>>, vector<1x16xf32>,
        %swap3A_98 = vector.shape_cast %swap3A_97 : vector<1x16xf32> to vector<16xf32>
        %swap3A_99 = vector.shape_cast %mul3A_94 : vector<16xf32> to vector<1x16xf32>
        tpu.vector_store %arg11[%swap3A_95, %swap3A_96], %swap3A_99 {strides = array<i32>} : memref<80x64xf32, #tpu.memory_space<vmem>>, vector<1x16xf32>,
        %get3A_100 = arith.index_cast %add3A_80 : i32 to index
        %get3A_101 = arith.constant 32 : index
        %get3A_102 = tpu.vector_load %arg11[%get3A_100, %get3A_101] {strides = array<i32>} : memref<80x64xf32, #tpu.memory_space<vmem>>, vector<1x16xf32>,
        %get3A_103 = vector.shape_cast %get3A_102 : vector<1x16xf32> to vector<16xf32>
        %mul3A_104 = arith.mulf %get3A_103, %broadcast_in_dim3A : vector<16xf32>
        %swap3A_105 = arith.index_cast %add3A_80 : i32 to index
        %swap3A_106 = arith.constant 32 : index
        %swap3A_107 = tpu.vector_load %arg11[%swap3A_105, %swap3A_106] {strides = array<i32>} : memref<80x64xf32, #tpu.memory_space<vmem>>, vector<1x16xf32>,
        %swap3A_108 = vector.shape_cast %swap3A_107 : vector<1x16xf32> to vector<16xf32>
        %swap3A_109 = vector.shape_cast %mul3A_104 : vector<16xf32> to vector<1x16xf32>
        tpu.vector_store %arg11[%swap3A_105, %swap3A_106], %swap3A_109 {strides = array<i32>} : memref<80x64xf32, #tpu.memory_space<vmem>>, vector<1x16xf32>,
        %get3A_110 = arith.index_cast %add3A_80 : i32 to index
        %get3A_111 = arith.constant 48 : index
        %get3A_112 = tpu.vector_load %arg11[%get3A_110, %get3A_111] {strides = array<i32>} : memref<80x64xf32, #tpu.memory_space<vmem>>, vector<1x16xf32>,
        %get3A_113 = vector.shape_cast %get3A_112 : vector<1x16xf32> to vector<16xf32>
        %mul3A_114 = arith.mulf %get3A_113, %broadcast_in_dim3A : vector<16xf32>
        %swap3A_115 = arith.index_cast %add3A_80 : i32 to index
        %swap3A_116 = arith.constant 48 : index
        %swap3A_117 = tpu.vector_load %arg11[%swap3A_115, %swap3A_116] {strides = array<i32>} : memref<80x64xf32, #tpu.memory_space<vmem>>, vector<1x16xf32>,
        %swap3A_118 = vector.shape_cast %swap3A_117 : vector<1x16xf32> to vector<16xf32>
        %swap3A_119 = vector.shape_cast %mul3A_114 : vector<16xf32> to vector<1x16xf32>
        tpu.vector_store %arg11[%swap3A_115, %swap3A_116], %swap3A_119 {strides = array<i32>} : memref<80x64xf32, #tpu.memory_space<vmem>>, vector<1x16xf32>,
        %slice3A_120 = vector.extract_strided_slice %get3A_76 {offsets = [1], sizes = [1], strides = [1]} : vector<16xf32> to vector<1xf32>
        %squeeze3A_121 = vector.extract %slice3A_120[0] : f32 from vector<1xf32>
        %broadcast_in_dim3A_122 = vector.broadcast %squeeze3A_121 : f32 to vector<16xf32>
        %mul3A_123 = arith.constant 16 : i32
        %mul3A_124 = arith.muli %scan3A_68, %mul3A_123 : i32
        %add3A_125 = arith.constant 1 : i32
        %add3A_126 = arith.addi %mul3A_124, %add3A_125 : i32
        %get3A_127 = arith.index_cast %add3A_126 : i32 to index
        %get3A_128 = arith.constant 0 : index
        %get3A_129 = tpu.vector_load %arg11[%get3A_127, %get3A_128] {strides = array<i32>} : memref<80x64xf32, #tpu.memory_space<vmem>>, vector<1x16xf32>,
        %get3A_130 = vector.shape_cast %get3A_129 : vector<1x16xf32> to vector<16xf32>
        %mul3A_131 = arith.mulf %get3A_130, %broadcast_in_dim3A_122 : vector<16xf32>
        %swap3A_132 = arith.index_cast %add3A_126 : i32 to index
        %swap3A_133 = arith.constant 0 : index
        %swap3A_134 = tpu.vector_load %arg11[%swap3A_132, %swap3A_133] {strides = array<i32>} : memref<80x64xf32, #tpu.memory_space<vmem>>, vector<1x16xf32>,
        %swap3A_135 = vector.shape_cast %swap3A_134 : vector<1x16xf32> to vector<16xf32>
        %swap3A_136 = vector.shape_cast %mul3A_131 : vector<16xf32> to vector<1x16xf32>
        tpu.vector_store %arg11[%swap3A_132, %swap3A_133], %swap3A_136 {strides = array<i32>} : memref<80x64xf32, #tpu.memory_space<vmem>>, vector<1x16xf32>,
        %get3A_137 = arith.index_cast %add3A_126 : i32 to index
        %get3A_138 = arith.constant 16 : index
        %get3A_139 = tpu.vector_load %arg11[%get3A_137, %get3A_138] {strides = array<i32>} : memref<80x64xf32, #tpu.memory_space<vmem>>, vector<1x16xf32>,
        %get3A_140 = vector.shape_cast %get3A_139 : vector<1x16xf32> to vector<16xf32>
        %mul3A_141 = arith.mulf %get3A_140, %broadcast_in_dim3A_122 : vector<16xf32>
        %swap3A_142 = arith.index_cast %add3A_126 : i32 to index
        %swap3A_143 = arith.constant 16 : index
        %swap3A_144 = tpu.vector_load %arg11[%swap3A_142, %swap3A_143] {strides = array<i32>} : memref<80x64xf32, #tpu.memory_space<vmem>>, vector<1x16xf32>,
        %swap3A_145 = vector.shape_cast %swap3A_144 : vector<1x16xf32> to vector<16xf32>
        %swap3A_146 = vector.shape_cast %mul3A_141 : vector<16xf32> to vector<1x16xf32>
        tpu.vector_store %arg11[%swap3A_142, %swap3A_143], %swap3A_146 {strides = array<i32>} : memref<80x64xf32, #tpu.memory_space<vmem>>, vector<1x16xf32>,
        %get3A_147 = arith.index_cast %add3A_126 : i32 to index
        %get3A_148 = arith.constant 32 : index
        %get3A_149 = tpu.vector_load %arg11[%get3A_147, %get3A_148] {strides = array<i32>} : memref<80x64xf32, #tpu.memory_space<vmem>>, vector<1x16xf32>,
        %get3A_150 = vector.shape_cast %get3A_149 : vector<1x16xf32> to vector<16xf32>
        %mul3A_151 = arith.mulf %get3A_150, %broadcast_in_dim3A_122 : vector<16xf32>
        %swap3A_152 = arith.index_cast %add3A_126 : i32 to index
        %swap3A_153 = arith.constant 32 : index
        %swap3A_154 = tpu.vector_load %arg11[%swap3A_152, %swap3A_153] {strides = array<i32>} : memref<80x64xf32, #tpu.memory_space<vmem>>, vector<1x16xf32>,
        %swap3A_155 = vector.shape_cast %swap3A_154 : vector<1x16xf32> to vector<16xf32>
        %swap3A_156 = vector.shape_cast %mul3A_151 : vector<16xf32> to vector<1x16xf32>
        tpu.vector_store %arg11[%swap3A_152, %swap3A_153], %swap3A_156 {strides = array<i32>} : memref<80x64xf32, #tpu.memory_space<vmem>>, vector<1x16xf32>,
        %get3A_157 = arith.index_cast %add3A_126 : i32 to index
        %get3A_158 = arith.constant 48 : index
        %get3A_159 = tpu.vector_load %arg11[%get3A_157, %get3A_158] {strides = array<i32>} : memref<80x64xf32, #tpu.memory_space<vmem>>, vector<1x16xf32>,
        %get3A_160 = vector.shape_cast %get3A_159 : vector<1x16xf32> to vector<16xf32>
        %mul3A_161 = arith.mulf %get3A_160, %broadcast_in_dim3A_122 : vector<16xf32>
        %swap3A_162 = arith.index_cast %add3A_126 : i32 to index
        %swap3A_163 = arith.constant 48 : index
        %swap3A_164 = tpu.vector_load %arg11[%swap3A_162, %swap3A_163] {strides = array<i32>} : memref<80x64xf32, #tpu.memory_space<vmem>>, vector<1x16xf32>,
        %swap3A_165 = vector.shape_cast %swap3A_164 : vector<1x16xf32> to vector<16xf32>
        %swap3A_166 = vector.shape_cast %mul3A_161 : vector<16xf32> to vector<1x16xf32>
        tpu.vector_store %arg11[%swap3A_162, %swap3A_163], %swap3A_166 {strides = array<i32>} : memref<80x64xf32, #tpu.memory_space<vmem>>, vector<1x16xf32>,
        %slice3A_167 = vector.extract_strided_slice %get3A_76 {offsets = [2], sizes = [1], strides = [1]} : vector<16xf32> to vector<1xf32>
        %squeeze3A_168 = vector.extract %slice3A_167[0] : f32 from vector<1xf32>
        %broadcast_in_dim3A_169 = vector.broadcast %squeeze3A_168 : f32 to vector<16xf32>
        %mul3A_170 = arith.constant 16 : i32
        %mul3A_171 = arith.muli %scan3A_68, %mul3A_170 : i32
        %add3A_172 = arith.constant 2 : i32
        %add3A_173 = arith.addi %mul3A_171, %add3A_172 : i32
        %get3A_174 = arith.index_cast %add3A_173 : i32 to index
        %get3A_175 = arith.constant 0 : index
        %get3A_176 = tpu.vector_load %arg11[%get3A_174, %get3A_175] {strides = array<i32>} : memref<80x64xf32, #tpu.memory_space<vmem>>, vector<1x16xf32>,
        %get3A_177 = vector.shape_cast %get3A_176 : vector<1x16xf32> to vector<16xf32>
        %mul3A_178 = arith.mulf %get3A_177, %broadcast_in_dim3A_169 : vector<16xf32>
        %swap3A_179 = arith.index_cast %add3A_173 : i32 to index
        %swap3A_180 = arith.constant 0 : index
        %swap3A_181 = tpu.vector_load %arg11[%swap3A_179, %swap3A_180] {strides = array<i32>} : memref<80x64xf32, #tpu.memory_space<vmem>>, vector<1x16xf32>,
        %swap3A_182 = vector.shape_cast %swap3A_181 : vector<1x16xf32> to vector<16xf32>
        %swap3A_183 = vector.shape_cast %mul3A_178 : vector<16xf32> to vector<1x16xf32>
        tpu.vector_store %arg11[%swap3A_179, %swap3A_180], %swap3A_183 {strides = array<i32>} : memref<80x64xf32, #tpu.memory_space<vmem>>, vector<1x16xf32>,
        %get3A_184 = arith.index_cast %add3A_173 : i32 to index
        %get3A_185 = arith.constant 16 : index
        %get3A_186 = tpu.vector_load %arg11[%get3A_184, %get3A_185] {strides = array<i32>} : memref<80x64xf32, #tpu.memory_space<vmem>>, vector<1x16xf32>,
        %get3A_187 = vector.shape_cast %get3A_186 : vector<1x16xf32> to vector<16xf32>
        %mul3A_188 = arith.mulf %get3A_187, %broadcast_in_dim3A_169 : vector<16xf32>
        %swap3A_189 = arith.index_cast %add3A_173 : i32 to index
        %swap3A_190 = arith.constant 16 : index
        %swap3A_191 = tpu.vector_load %arg11[%swap3A_189, %swap3A_190] {strides = array<i32>} : memref<80x64xf32, #tpu.memory_space<vmem>>, vector<1x16xf32>,
        %swap3A_192 = vector.shape_cast %swap3A_191 : vector<1x16xf32> to vector<16xf32>
        %swap3A_193 = vector.shape_cast %mul3A_188 : vector<16xf32> to vector<1x16xf32>
        tpu.vector_store %arg11[%swap3A_189, %swap3A_190], %swap3A_193 {strides = array<i32>} : memref<80x64xf32, #tpu.memory_space<vmem>>, vector<1x16xf32>,
        %get3A_194 = arith.index_cast %add3A_173 : i32 to index
        %get3A_195 = arith.constant 32 : index
        %get3A_196 = tpu.vector_load %arg11[%get3A_194, %get3A_195] {strides = array<i32>} : memref<80x64xf32, #tpu.memory_space<vmem>>, vector<1x16xf32>,
        %get3A_197 = vector.shape_cast %get3A_196 : vector<1x16xf32> to vector<16xf32>
        %mul3A_198 = arith.mulf %get3A_197, %broadcast_in_dim3A_169 : vector<16xf32>
        %swap3A_199 = arith.index_cast %add3A_173 : i32 to index
        %swap3A_200 = arith.constant 32 : index
        %swap3A_201 = tpu.vector_load %arg11[%swap3A_199, %swap3A_200] {strides = array<i32>} : memref<80x64xf32, #tpu.memory_space<vmem>>, vector<1x16xf32>,
        %swap3A_202 = vector.shape_cast %swap3A_201 : vector<1x16xf32> to vector<16xf32>
        %swap3A_203 = vector.shape_cast %mul3A_198 : vector<16xf32> to vector<1x16xf32>
        tpu.vector_store %arg11[%swap3A_199, %swap3A_200], %swap3A_203 {strides = array<i32>} : memref<80x64xf32, #tpu.memory_space<vmem>>, vector<1x16xf32>,
        %get3A_204 = arith.index_cast %add3A_173 : i32 to index
        %get3A_205 = arith.constant 48 : index
        %get3A_206 = tpu.vector_load %arg11[%get3A_204, %get3A_205] {strides = array<i32>} : memref<80x64xf32, #tpu.memory_space<vmem>>, vector<1x16xf32>,
        %get3A_207 = vector.shape_cast %get3A_206 : vector<1x16xf32> to vector<16xf32>
        %mul3A_208 = arith.mulf %get3A_207, %broadcast_in_dim3A_169 : vector<16xf32>
        %swap3A_209 = arith.index_cast %add3A_173 : i32 to index
        %swap3A_210 = arith.constant 48 : index
        %swap3A_211 = tpu.vector_load %arg11[%swap3A_209, %swap3A_210] {strides = array<i32>} : memref<80x64xf32, #tpu.memory_space<vmem>>, vector<1x16xf32>,
        %swap3A_212 = vector.shape_cast %swap3A_211 : vector<1x16xf32> to vector<16xf32>
        %swap3A_213 = vector.shape_cast %mul3A_208 : vector<16xf32> to vector<1x16xf32>
        tpu.vector_store %arg11[%swap3A_209, %swap3A_210], %swap3A_213 {strides = array<i32>} : memref<80x64xf32, #tpu.memory_space<vmem>>, vector<1x16xf32>,
        %slice3A_214 = vector.extract_strided_slice %get3A_76 {offsets = [3], sizes = [1], strides = [1]} : vector<16xf32> to vector<1xf32>
        %squeeze3A_215 = vector.extract %slice3A_214[0] : f32 from vector<1xf32>
        %broadcast_in_dim3A_216 = vector.broadcast %squeeze3A_215 : f32 to vector<16xf32>
        %mul3A_217 = arith.constant 16 : i32
        %mul3A_218 = arith.muli %scan3A_68, %mul3A_217 : i32
        %add3A_219 = arith.constant 3 : i32
        %add3A_220 = arith.addi %mul3A_218, %add3A_219 : i32
        %get3A_221 = arith.index_cast %add3A_220 : i32 to index
        %get3A_222 = arith.constant 0 : index
        %get3A_223 = tpu.vector_load %arg11[%get3A_221, %get3A_222] {strides = array<i32>} : memref<80x64xf32, #tpu.memory_space<vmem>>, vector<1x16xf32>,
        %get3A_224 = vector.shape_cast %get3A_223 : vector<1x16xf32> to vector<16xf32>
        %mul3A_225 = arith.mulf %get3A_224, %broadcast_in_dim3A_216 : vector<16xf32>
        %swap3A_226 = arith.index_cast %add3A_220 : i32 to index
        %swap3A_227 = arith.constant 0 : index
        %swap3A_228 = tpu.vector_load %arg11[%swap3A_226, %swap3A_227] {strides = array<i32>} : memref<80x64xf32, #tpu.memory_space<vmem>>, vector<1x16xf32>,
        %swap3A_229 = vector.shape_cast %swap3A_228 : vector<1x16xf32> to vector<16xf32>
        %swap3A_230 = vector.shape_cast %mul3A_225 : vector<16xf32> to vector<1x16xf32>
        tpu.vector_store %arg11[%swap3A_226, %swap3A_227], %swap3A_230 {strides = array<i32>} : memref<80x64xf32, #tpu.memory_space<vmem>>, vector<1x16xf32>,
        %get3A_231 = arith.index_cast %add3A_220 : i32 to index
        %get3A_232 = arith.constant 16 : index
        %get3A_233 = tpu.vector_load %arg11[%get3A_231, %get3A_232] {strides = array<i32>} : memref<80x64xf32, #tpu.memory_space<vmem>>, vector<1x16xf32>,
        %get3A_234 = vector.shape_cast %get3A_233 : vector<1x16xf32> to vector<16xf32>
        %mul3A_235 = arith.mulf %get3A_234, %broadcast_in_dim3A_216 : vector<16xf32>
        %swap3A_236 = arith.index_cast %add3A_220 : i32 to index
        %swap3A_237 = arith.constant 16 : index
        %swap3A_238 = tpu.vector_load %arg11[%swap3A_236, %swap3A_237] {strides = array<i32>} : memref<80x64xf32, #tpu.memory_space<vmem>>, vector<1x16xf32>,
        %swap3A_239 = vector.shape_cast %swap3A_238 : vector<1x16xf32> to vector<16xf32>
        %swap3A_240 = vector.shape_cast %mul3A_235 : vector<16xf32> to vector<1x16xf32>
        tpu.vector_store %arg11[%swap3A_236, %swap3A_237], %swap3A_240 {strides = array<i32>} : memref<80x64xf32, #tpu.memory_space<vmem>>, vector<1x16xf32>,
        %get3A_241 = arith.index_cast %add3A_220 : i32 to index
        %get3A_242 = arith.constant 32 : index
        %get3A_243 = tpu.vector_load %arg11[%get3A_241, %get3A_242] {strides = array<i32>} : memref<80x64xf32, #tpu.memory_space<vmem>>, vector<1x16xf32>,
        %get3A_244 = vector.shape_cast %get3A_243 : vector<1x16xf32> to vector<16xf32>
        %mul3A_245 = arith.mulf %get3A_244, %broadcast_in_dim3A_216 : vector<16xf32>
        %swap3A_246 = arith.index_cast %add3A_220 : i32 to index
        %swap3A_247 = arith.constant 32 : index
        %swap3A_248 = tpu.vector_load %arg11[%swap3A_246, %swap3A_247] {strides = array<i32>} : memref<80x64xf32, #tpu.memory_space<vmem>>, vector<1x16xf32>,
        %swap3A_249 = vector.shape_cast %swap3A_248 : vector<1x16xf32> to vector<16xf32>
        %swap3A_250 = vector.shape_cast %mul3A_245 : vector<16xf32> to vector<1x16xf32>
        tpu.vector_store %arg11[%swap3A_246, %swap3A_247], %swap3A_250 {strides = array<i32>} : memref<80x64xf32, #tpu.memory_space<vmem>>, vector<1x16xf32>,
        %get3A_251 = arith.index_cast %add3A_220 : i32 to index
        %get3A_252 = arith.constant 48 : index
        %get3A_253 = tpu.vector_load %arg11[%get3A_251, %get3A_252] {strides = array<i32>} : memref<80x64xf32, #tpu.memory_space<vmem>>, vector<1x16xf32>,
        %get3A_254 = vector.shape_cast %get3A_253 : vector<1x16xf32> to vector<16xf32>
        %mul3A_255 = arith.mulf %get3A_254, %broadcast_in_dim3A_216 : vector<16xf32>
        %swap3A_256 = arith.index_cast %add3A_220 : i32 to index
        %swap3A_257 = arith.constant 48 : index
        %swap3A_258 = tpu.vector_load %arg11[%swap3A_256, %swap3A_257] {strides = array<i32>} : memref<80x64xf32, #tpu.memory_space<vmem>>, vector<1x16xf32>,
        %swap3A_259 = vector.shape_cast %swap3A_258 : vector<1x16xf32> to vector<16xf32>
        %swap3A_260 = vector.shape_cast %mul3A_255 : vector<16xf32> to vector<1x16xf32>
        tpu.vector_store %arg11[%swap3A_256, %swap3A_257], %swap3A_260 {strides = array<i32>} : memref<80x64xf32, #tpu.memory_space<vmem>>, vector<1x16xf32>,
        %slice3A_261 = vector.extract_strided_slice %get3A_76 {offsets = [4], sizes = [1], strides = [1]} : vector<16xf32> to vector<1xf32>
        %squeeze3A_262 = vector.extract %slice3A_261[0] : f32 from vector<1xf32>
        %broadcast_in_dim3A_263 = vector.broadcast %squeeze3A_262 : f32 to vector<16xf32>
        %mul3A_264 = arith.constant 16 : i32
        %mul3A_265 = arith.muli %scan3A_68, %mul3A_264 : i32
        %add3A_266 = arith.constant 4 : i32
        %add3A_267 = arith.addi %mul3A_265, %add3A_266 : i32
        %get3A_268 = arith.index_cast %add3A_267 : i32 to index
        %get3A_269 = arith.constant 0 : index
        %get3A_270 = tpu.vector_load %arg11[%get3A_268, %get3A_269] {strides = array<i32>} : memref<80x64xf32, #tpu.memory_space<vmem>>, vector<1x16xf32>,
        %get3A_271 = vector.shape_cast %get3A_270 : vector<1x16xf32> to vector<16xf32>
        %mul3A_272 = arith.mulf %get3A_271, %broadcast_in_dim3A_263 : vector<16xf32>
        %swap3A_273 = arith.index_cast %add3A_267 : i32 to index
        %swap3A_274 = arith.constant 0 : index
        %swap3A_275 = tpu.vector_load %arg11[%swap3A_273, %swap3A_274] {strides = array<i32>} : memref<80x64xf32, #tpu.memory_space<vmem>>, vector<1x16xf32>,
        %swap3A_276 = vector.shape_cast %swap3A_275 : vector<1x16xf32> to vector<16xf32>
        %swap3A_277 = vector.shape_cast %mul3A_272 : vector<16xf32> to vector<1x16xf32>
        tpu.vector_store %arg11[%swap3A_273, %swap3A_274], %swap3A_277 {strides = array<i32>} : memref<80x64xf32, #tpu.memory_space<vmem>>, vector<1x16xf32>,
        %get3A_278 = arith.index_cast %add3A_267 : i32 to index
        %get3A_279 = arith.constant 16 : index
        %get3A_280 = tpu.vector_load %arg11[%get3A_278, %get3A_279] {strides = array<i32>} : memref<80x64xf32, #tpu.memory_space<vmem>>, vector<1x16xf32>,
        %get3A_281 = vector.shape_cast %get3A_280 : vector<1x16xf32> to vector<16xf32>
        %mul3A_282 = arith.mulf %get3A_281, %broadcast_in_dim3A_263 : vector<16xf32>
        %swap3A_283 = arith.index_cast %add3A_267 : i32 to index
        %swap3A_284 = arith.constant 16 : index
        %swap3A_285 = tpu.vector_load %arg11[%swap3A_283, %swap3A_284] {strides = array<i32>} : memref<80x64xf32, #tpu.memory_space<vmem>>, vector<1x16xf32>,
        %swap3A_286 = vector.shape_cast %swap3A_285 : vector<1x16xf32> to vector<16xf32>
        %swap3A_287 = vector.shape_cast %mul3A_282 : vector<16xf32> to vector<1x16xf32>
        tpu.vector_store %arg11[%swap3A_283, %swap3A_284], %swap3A_287 {strides = array<i32>} : memref<80x64xf32, #tpu.memory_space<vmem>>, vector<1x16xf32>,
        %get3A_288 = arith.index_cast %add3A_267 : i32 to index
        %get3A_289 = arith.constant 32 : index
        %get3A_290 = tpu.vector_load %arg11[%get3A_288, %get3A_289] {strides = array<i32>} : memref<80x64xf32, #tpu.memory_space<vmem>>, vector<1x16xf32>,
        %get3A_291 = vector.shape_cast %get3A_290 : vector<1x16xf32> to vector<16xf32>
        %mul3A_292 = arith.mulf %get3A_291, %broadcast_in_dim3A_263 : vector<16xf32>
        %swap3A_293 = arith.index_cast %add3A_267 : i32 to index
        %swap3A_294 = arith.constant 32 : index
        %swap3A_295 = tpu.vector_load %arg11[%swap3A_293, %swap3A_294] {strides = array<i32>} : memref<80x64xf32, #tpu.memory_space<vmem>>, vector<1x16xf32>,
        %swap3A_296 = vector.shape_cast %swap3A_295 : vector<1x16xf32> to vector<16xf32>
        %swap3A_297 = vector.shape_cast %mul3A_292 : vector<16xf32> to vector<1x16xf32>
        tpu.vector_store %arg11[%swap3A_293, %swap3A_294], %swap3A_297 {strides = array<i32>} : memref<80x64xf32, #tpu.memory_space<vmem>>, vector<1x16xf32>,
        %get3A_298 = arith.index_cast %add3A_267 : i32 to index
        %get3A_299 = arith.constant 48 : index
        %get3A_300 = tpu.vector_load %arg11[%get3A_298, %get3A_299] {strides = array<i32>} : memref<80x64xf32, #tpu.memory_space<vmem>>, vector<1x16xf32>,
        %get3A_301 = vector.shape_cast %get3A_300 : vector<1x16xf32> to vector<16xf32>
        %mul3A_302 = arith.mulf %get3A_301, %broadcast_in_dim3A_263 : vector<16xf32>
        %swap3A_303 = arith.index_cast %add3A_267 : i32 to index
        %swap3A_304 = arith.constant 48 : index
        %swap3A_305 = tpu.vector_load %arg11[%swap3A_303, %swap3A_304] {strides = array<i32>} : memref<80x64xf32, #tpu.memory_space<vmem>>, vector<1x16xf32>,
        %swap3A_306 = vector.shape_cast %swap3A_305 : vector<1x16xf32> to vector<16xf32>
        %swap3A_307 = vector.shape_cast %mul3A_302 : vector<16xf32> to vector<1x16xf32>
        tpu.vector_store %arg11[%swap3A_303, %swap3A_304], %swap3A_307 {strides = array<i32>} : memref<80x64xf32, #tpu.memory_space<vmem>>, vector<1x16xf32>,
        %slice3A_308 = vector.extract_strided_slice %get3A_76 {offsets = [5], sizes = [1], strides = [1]} : vector<16xf32> to vector<1xf32>
        %squeeze3A_309 = vector.extract %slice3A_308[0] : f32 from vector<1xf32>
        %broadcast_in_dim3A_310 = vector.broadcast %squeeze3A_309 : f32 to vector<16xf32>
        %mul3A_311 = arith.constant 16 : i32
        %mul3A_312 = arith.muli %scan3A_68, %mul3A_311 : i32
        %add3A_313 = arith.constant 5 : i32
        %add3A_314 = arith.addi %mul3A_312, %add3A_313 : i32
        %get3A_315 = arith.index_cast %add3A_314 : i32 to index
        %get3A_316 = arith.constant 0 : index
        %get3A_317 = tpu.vector_load %arg11[%get3A_315, %get3A_316] {strides = array<i32>} : memref<80x64xf32, #tpu.memory_space<vmem>>, vector<1x16xf32>,
        %get3A_318 = vector.shape_cast %get3A_317 : vector<1x16xf32> to vector<16xf32>
        %mul3A_319 = arith.mulf %get3A_318, %broadcast_in_dim3A_310 : vector<16xf32>
        %swap3A_320 = arith.index_cast %add3A_314 : i32 to index
        %swap3A_321 = arith.constant 0 : index
        %swap3A_322 = tpu.vector_load %arg11[%swap3A_320, %swap3A_321] {strides = array<i32>} : memref<80x64xf32, #tpu.memory_space<vmem>>, vector<1x16xf32>,
        %swap3A_323 = vector.shape_cast %swap3A_322 : vector<1x16xf32> to vector<16xf32>
        %swap3A_324 = vector.shape_cast %mul3A_319 : vector<16xf32> to vector<1x16xf32>
        tpu.vector_store %arg11[%swap3A_320, %swap3A_321], %swap3A_324 {strides = array<i32>} : memref<80x64xf32, #tpu.memory_space<vmem>>, vector<1x16xf32>,
        %get3A_325 = arith.index_cast %add3A_314 : i32 to index
        %get3A_326 = arith.constant 16 : index
        %get3A_327 = tpu.vector_load %arg11[%get3A_325, %get3A_326] {strides = array<i32>} : memref<80x64xf32, #tpu.memory_space<vmem>>, vector<1x16xf32>,
        %get3A_328 = vector.shape_cast %get3A_327 : vector<1x16xf32> to vector<16xf32>
        %mul3A_329 = arith.mulf %get3A_328, %broadcast_in_dim3A_310 : vector<16xf32>
        %swap3A_330 = arith.index_cast %add3A_314 : i32 to index
        %swap3A_331 = arith.constant 16 : index
        %swap3A_332 = tpu.vector_load %arg11[%swap3A_330, %swap3A_331] {strides = array<i32>} : memref<80x64xf32, #tpu.memory_space<vmem>>, vector<1x16xf32>,
        %swap3A_333 = vector.shape_cast %swap3A_332 : vector<1x16xf32> to vector<16xf32>
        %swap3A_334 = vector.shape_cast %mul3A_329 : vector<16xf32> to vector<1x16xf32>
        tpu.vector_store %arg11[%swap3A_330, %swap3A_331], %swap3A_334 {strides = array<i32>} : memref<80x64xf32, #tpu.memory_space<vmem>>, vector<1x16xf32>,
        %get3A_335 = arith.index_cast %add3A_314 : i32 to index
        %get3A_336 = arith.constant 32 : index
        %get3A_337 = tpu.vector_load %arg11[%get3A_335, %get3A_336] {strides = array<i32>} : memref<80x64xf32, #tpu.memory_space<vmem>>, vector<1x16xf32>,
        %get3A_338 = vector.shape_cast %get3A_337 : vector<1x16xf32> to vector<16xf32>
        %mul3A_339 = arith.mulf %get3A_338, %broadcast_in_dim3A_310 : vector<16xf32>
        %swap3A_340 = arith.index_cast %add3A_314 : i32 to index
        %swap3A_341 = arith.constant 32 : index
        %swap3A_342 = tpu.vector_load %arg11[%swap3A_340, %swap3A_341] {strides = array<i32>} : memref<80x64xf32, #tpu.memory_space<vmem>>, vector<1x16xf32>,
        %swap3A_343 = vector.shape_cast %swap3A_342 : vector<1x16xf32> to vector<16xf32>
        %swap3A_344 = vector.shape_cast %mul3A_339 : vector<16xf32> to vector<1x16xf32>
        tpu.vector_store %arg11[%swap3A_340, %swap3A_341], %swap3A_344 {strides = array<i32>} : memref<80x64xf32, #tpu.memory_space<vmem>>, vector<1x16xf32>,
        %get3A_345 = arith.index_cast %add3A_314 : i32 to index
        %get3A_346 = arith.constant 48 : index
        %get3A_347 = tpu.vector_load %arg11[%get3A_345, %get3A_346] {strides = array<i32>} : memref<80x64xf32, #tpu.memory_space<vmem>>, vector<1x16xf32>,
        %get3A_348 = vector.shape_cast %get3A_347 : vector<1x16xf32> to vector<16xf32>
        %mul3A_349 = arith.mulf %get3A_348, %broadcast_in_dim3A_310 : vector<16xf32>
        %swap3A_350 = arith.index_cast %add3A_314 : i32 to index
        %swap3A_351 = arith.constant 48 : index
        %swap3A_352 = tpu.vector_load %arg11[%swap3A_350, %swap3A_351] {strides = array<i32>} : memref<80x64xf32, #tpu.memory_space<vmem>>, vector<1x16xf32>,
        %swap3A_353 = vector.shape_cast %swap3A_352 : vector<1x16xf32> to vector<16xf32>
        %swap3A_354 = vector.shape_cast %mul3A_349 : vector<16xf32> to vector<1x16xf32>
        tpu.vector_store %arg11[%swap3A_350, %swap3A_351], %swap3A_354 {strides = array<i32>} : memref<80x64xf32, #tpu.memory_space<vmem>>, vector<1x16xf32>,
        %slice3A_355 = vector.extract_strided_slice %get3A_76 {offsets = [6], sizes = [1], strides = [1]} : vector<16xf32> to vector<1xf32>
        %squeeze3A_356 = vector.extract %slice3A_355[0] : f32 from vector<1xf32>
        %broadcast_in_dim3A_357 = vector.broadcast %squeeze3A_356 : f32 to vector<16xf32>
        %mul3A_358 = arith.constant 16 : i32
        %mul3A_359 = arith.muli %scan3A_68, %mul3A_358 : i32
        %add3A_360 = arith.constant 6 : i32
        %add3A_361 = arith.addi %mul3A_359, %add3A_360 : i32
        %get3A_362 = arith.index_cast %add3A_361 : i32 to index
        %get3A_363 = arith.constant 0 : index
        %get3A_364 = tpu.vector_load %arg11[%get3A_362, %get3A_363] {strides = array<i32>} : memref<80x64xf32, #tpu.memory_space<vmem>>, vector<1x16xf32>,
        %get3A_365 = vector.shape_cast %get3A_364 : vector<1x16xf32> to vector<16xf32>
        %mul3A_366 = arith.mulf %get3A_365, %broadcast_in_dim3A_357 : vector<16xf32>
        %swap3A_367 = arith.index_cast %add3A_361 : i32 to index
        %swap3A_368 = arith.constant 0 : index
        %swap3A_369 = tpu.vector_load %arg11[%swap3A_367, %swap3A_368] {strides = array<i32>} : memref<80x64xf32, #tpu.memory_space<vmem>>, vector<1x16xf32>,
        %swap3A_370 = vector.shape_cast %swap3A_369 : vector<1x16xf32> to vector<16xf32>
        %swap3A_371 = vector.shape_cast %mul3A_366 : vector<16xf32> to vector<1x16xf32>
        tpu.vector_store %arg11[%swap3A_367, %swap3A_368], %swap3A_371 {strides = array<i32>} : memref<80x64xf32, #tpu.memory_space<vmem>>, vector<1x16xf32>,
        %get3A_372 = arith.index_cast %add3A_361 : i32 to index
        %get3A_373 = arith.constant 16 : index
        %get3A_374 = tpu.vector_load %arg11[%get3A_372, %get3A_373] {strides = array<i32>} : memref<80x64xf32, #tpu.memory_space<vmem>>, vector<1x16xf32>,
        %get3A_375 = vector.shape_cast %get3A_374 : vector<1x16xf32> to vector<16xf32>
        %mul3A_376 = arith.mulf %get3A_375, %broadcast_in_dim3A_357 : vector<16xf32>
        %swap3A_377 = arith.index_cast %add3A_361 : i32 to index
        %swap3A_378 = arith.constant 16 : index
        %swap3A_379 = tpu.vector_load %arg11[%swap3A_377, %swap3A_378] {strides = array<i32>} : memref<80x64xf32, #tpu.memory_space<vmem>>, vector<1x16xf32>,
        %swap3A_380 = vector.shape_cast %swap3A_379 : vector<1x16xf32> to vector<16xf32>
        %swap3A_381 = vector.shape_cast %mul3A_376 : vector<16xf32> to vector<1x16xf32>
        tpu.vector_store %arg11[%swap3A_377, %swap3A_378], %swap3A_381 {strides = array<i32>} : memref<80x64xf32, #tpu.memory_space<vmem>>, vector<1x16xf32>,
        %get3A_382 = arith.index_cast %add3A_361 : i32 to index
        %get3A_383 = arith.constant 32 : index
        %get3A_384 = tpu.vector_load %arg11[%get3A_382, %get3A_383] {strides = array<i32>} : memref<80x64xf32, #tpu.memory_space<vmem>>, vector<1x16xf32>,
        %get3A_385 = vector.shape_cast %get3A_384 : vector<1x16xf32> to vector<16xf32>
        %mul3A_386 = arith.mulf %get3A_385, %broadcast_in_dim3A_357 : vector<16xf32>
        %swap3A_387 = arith.index_cast %add3A_361 : i32 to index
        %swap3A_388 = arith.constant 32 : index
        %swap3A_389 = tpu.vector_load %arg11[%swap3A_387, %swap3A_388] {strides = array<i32>} : memref<80x64xf32, #tpu.memory_space<vmem>>, vector<1x16xf32>,
        %swap3A_390 = vector.shape_cast %swap3A_389 : vector<1x16xf32> to vector<16xf32>
        %swap3A_391 = vector.shape_cast %mul3A_386 : vector<16xf32> to vector<1x16xf32>
        tpu.vector_store %arg11[%swap3A_387, %swap3A_388], %swap3A_391 {strides = array<i32>} : memref<80x64xf32, #tpu.memory_space<vmem>>, vector<1x16xf32>,
        %get3A_392 = arith.index_cast %add3A_361 : i32 to index
        %get3A_393 = arith.constant 48 : index
        %get3A_394 = tpu.vector_load %arg11[%get3A_392, %get3A_393] {strides = array<i32>} : memref<80x64xf32, #tpu.memory_space<vmem>>, vector<1x16xf32>,
        %get3A_395 = vector.shape_cast %get3A_394 : vector<1x16xf32> to vector<16xf32>
        %mul3A_396 = arith.mulf %get3A_395, %broadcast_in_dim3A_357 : vector<16xf32>
        %swap3A_397 = arith.index_cast %add3A_361 : i32 to index
        %swap3A_398 = arith.constant 48 : index
        %swap3A_399 = tpu.vector_load %arg11[%swap3A_397, %swap3A_398] {strides = array<i32>} : memref<80x64xf32, #tpu.memory_space<vmem>>, vector<1x16xf32>,
        %swap3A_400 = vector.shape_cast %swap3A_399 : vector<1x16xf32> to vector<16xf32>
        %swap3A_401 = vector.shape_cast %mul3A_396 : vector<16xf32> to vector<1x16xf32>
        tpu.vector_store %arg11[%swap3A_397, %swap3A_398], %swap3A_401 {strides = array<i32>} : memref<80x64xf32, #tpu.memory_space<vmem>>, vector<1x16xf32>,
        %slice3A_402 = vector.extract_strided_slice %get3A_76 {offsets = [7], sizes = [1], strides = [1]} : vector<16xf32> to vector<1xf32>
        %squeeze3A_403 = vector.extract %slice3A_402[0] : f32 from vector<1xf32>
        %broadcast_in_dim3A_404 = vector.broadcast %squeeze3A_403 : f32 to vector<16xf32>
        %mul3A_405 = arith.constant 16 : i32
        %mul3A_406 = arith.muli %scan3A_68, %mul3A_405 : i32
        %add3A_407 = arith.constant 7 : i32
        %add3A_408 = arith.addi %mul3A_406, %add3A_407 : i32
        %get3A_409 = arith.index_cast %add3A_408 : i32 to index
        %get3A_410 = arith.constant 0 : index
        %get3A_411 = tpu.vector_load %arg11[%get3A_409, %get3A_410] {strides = array<i32>} : memref<80x64xf32, #tpu.memory_space<vmem>>, vector<1x16xf32>,
        %get3A_412 = vector.shape_cast %get3A_411 : vector<1x16xf32> to vector<16xf32>
        %mul3A_413 = arith.mulf %get3A_412, %broadcast_in_dim3A_404 : vector<16xf32>
        %swap3A_414 = arith.index_cast %add3A_408 : i32 to index
        %swap3A_415 = arith.constant 0 : index
        %swap3A_416 = tpu.vector_load %arg11[%swap3A_414, %swap3A_415] {strides = array<i32>} : memref<80x64xf32, #tpu.memory_space<vmem>>, vector<1x16xf32>,
        %swap3A_417 = vector.shape_cast %swap3A_416 : vector<1x16xf32> to vector<16xf32>
        %swap3A_418 = vector.shape_cast %mul3A_413 : vector<16xf32> to vector<1x16xf32>
        tpu.vector_store %arg11[%swap3A_414, %swap3A_415], %swap3A_418 {strides = array<i32>} : memref<80x64xf32, #tpu.memory_space<vmem>>, vector<1x16xf32>,
        %get3A_419 = arith.index_cast %add3A_408 : i32 to index
        %get3A_420 = arith.constant 16 : index
        %get3A_421 = tpu.vector_load %arg11[%get3A_419, %get3A_420] {strides = array<i32>} : memref<80x64xf32, #tpu.memory_space<vmem>>, vector<1x16xf32>,
        %get3A_422 = vector.shape_cast %get3A_421 : vector<1x16xf32> to vector<16xf32>
        %mul3A_423 = arith.mulf %get3A_422, %broadcast_in_dim3A_404 : vector<16xf32>
        %swap3A_424 = arith.index_cast %add3A_408 : i32 to index
        %swap3A_425 = arith.constant 16 : index
        %swap3A_426 = tpu.vector_load %arg11[%swap3A_424, %swap3A_425] {strides = array<i32>} : memref<80x64xf32, #tpu.memory_space<vmem>>, vector<1x16xf32>,
        %swap3A_427 = vector.shape_cast %swap3A_426 : vector<1x16xf32> to vector<16xf32>
        %swap3A_428 = vector.shape_cast %mul3A_423 : vector<16xf32> to vector<1x16xf32>
        tpu.vector_store %arg11[%swap3A_424, %swap3A_425], %swap3A_428 {strides = array<i32>} : memref<80x64xf32, #tpu.memory_space<vmem>>, vector<1x16xf32>,
        %get3A_429 = arith.index_cast %add3A_408 : i32 to index
        %get3A_430 = arith.constant 32 : index
        %get3A_431 = tpu.vector_load %arg11[%get3A_429, %get3A_430] {strides = array<i32>} : memref<80x64xf32, #tpu.memory_space<vmem>>, vector<1x16xf32>,
        %get3A_432 = vector.shape_cast %get3A_431 : vector<1x16xf32> to vector<16xf32>
        %mul3A_433 = arith.mulf %get3A_432, %broadcast_in_dim3A_404 : vector<16xf32>
        %swap3A_434 = arith.index_cast %add3A_408 : i32 to index
        %swap3A_435 = arith.constant 32 : index
        %swap3A_436 = tpu.vector_load %arg11[%swap3A_434, %swap3A_435] {strides = array<i32>} : memref<80x64xf32, #tpu.memory_space<vmem>>, vector<1x16xf32>,
        %swap3A_437 = vector.shape_cast %swap3A_436 : vector<1x16xf32> to vector<16xf32>
        %swap3A_438 = vector.shape_cast %mul3A_433 : vector<16xf32> to vector<1x16xf32>
        tpu.vector_store %arg11[%swap3A_434, %swap3A_435], %swap3A_438 {strides = array<i32>} : memref<80x64xf32, #tpu.memory_space<vmem>>, vector<1x16xf32>,
        %get3A_439 = arith.index_cast %add3A_408 : i32 to index
        %get3A_440 = arith.constant 48 : index
        %get3A_441 = tpu.vector_load %arg11[%get3A_439, %get3A_440] {strides = array<i32>} : memref<80x64xf32, #tpu.memory_space<vmem>>, vector<1x16xf32>,
        %get3A_442 = vector.shape_cast %get3A_441 : vector<1x16xf32> to vector<16xf32>
        %mul3A_443 = arith.mulf %get3A_442, %broadcast_in_dim3A_404 : vector<16xf32>
        %swap3A_444 = arith.index_cast %add3A_408 : i32 to index
        %swap3A_445 = arith.constant 48 : index
        %swap3A_446 = tpu.vector_load %arg11[%swap3A_444, %swap3A_445] {strides = array<i32>} : memref<80x64xf32, #tpu.memory_space<vmem>>, vector<1x16xf32>,
        %swap3A_447 = vector.shape_cast %swap3A_446 : vector<1x16xf32> to vector<16xf32>
        %swap3A_448 = vector.shape_cast %mul3A_443 : vector<16xf32> to vector<1x16xf32>
        tpu.vector_store %arg11[%swap3A_444, %swap3A_445], %swap3A_448 {strides = array<i32>} : memref<80x64xf32, #tpu.memory_space<vmem>>, vector<1x16xf32>,
        %slice3A_449 = vector.extract_strided_slice %get3A_76 {offsets = [8], sizes = [1], strides = [1]} : vector<16xf32> to vector<1xf32>
        %squeeze3A_450 = vector.extract %slice3A_449[0] : f32 from vector<1xf32>
        %broadcast_in_dim3A_451 = vector.broadcast %squeeze3A_450 : f32 to vector<16xf32>
        %mul3A_452 = arith.constant 16 : i32
        %mul3A_453 = arith.muli %scan3A_68, %mul3A_452 : i32
        %add3A_454 = arith.constant 8 : i32
        %add3A_455 = arith.addi %mul3A_453, %add3A_454 : i32
        %get3A_456 = arith.index_cast %add3A_455 : i32 to index
        %get3A_457 = arith.constant 0 : index
        %get3A_458 = tpu.vector_load %arg11[%get3A_456, %get3A_457] {strides = array<i32>} : memref<80x64xf32, #tpu.memory_space<vmem>>, vector<1x16xf32>,
        %get3A_459 = vector.shape_cast %get3A_458 : vector<1x16xf32> to vector<16xf32>
        %mul3A_460 = arith.mulf %get3A_459, %broadcast_in_dim3A_451 : vector<16xf32>
        %swap3A_461 = arith.index_cast %add3A_455 : i32 to index
        %swap3A_462 = arith.constant 0 : index
        %swap3A_463 = tpu.vector_load %arg11[%swap3A_461, %swap3A_462] {strides = array<i32>} : memref<80x64xf32, #tpu.memory_space<vmem>>, vector<1x16xf32>,
        %swap3A_464 = vector.shape_cast %swap3A_463 : vector<1x16xf32> to vector<16xf32>
        %swap3A_465 = vector.shape_cast %mul3A_460 : vector<16xf32> to vector<1x16xf32>
        tpu.vector_store %arg11[%swap3A_461, %swap3A_462], %swap3A_465 {strides = array<i32>} : memref<80x64xf32, #tpu.memory_space<vmem>>, vector<1x16xf32>,
        %get3A_466 = arith.index_cast %add3A_455 : i32 to index
        %get3A_467 = arith.constant 16 : index
        %get3A_468 = tpu.vector_load %arg11[%get3A_466, %get3A_467] {strides = array<i32>} : memref<80x64xf32, #tpu.memory_space<vmem>>, vector<1x16xf32>,
        %get3A_469 = vector.shape_cast %get3A_468 : vector<1x16xf32> to vector<16xf32>
        %mul3A_470 = arith.mulf %get3A_469, %broadcast_in_dim3A_451 : vector<16xf32>
        %swap3A_471 = arith.index_cast %add3A_455 : i32 to index
        %swap3A_472 = arith.constant 16 : index
        %swap3A_473 = tpu.vector_load %arg11[%swap3A_471, %swap3A_472] {strides = array<i32>} : memref<80x64xf32, #tpu.memory_space<vmem>>, vector<1x16xf32>,
        %swap3A_474 = vector.shape_cast %swap3A_473 : vector<1x16xf32> to vector<16xf32>
        %swap3A_475 = vector.shape_cast %mul3A_470 : vector<16xf32> to vector<1x16xf32>
        tpu.vector_store %arg11[%swap3A_471, %swap3A_472], %swap3A_475 {strides = array<i32>} : memref<80x64xf32, #tpu.memory_space<vmem>>, vector<1x16xf32>,
        %get3A_476 = arith.index_cast %add3A_455 : i32 to index
        %get3A_477 = arith.constant 32 : index
        %get3A_478 = tpu.vector_load %arg11[%get3A_476, %get3A_477] {strides = array<i32>} : memref<80x64xf32, #tpu.memory_space<vmem>>, vector<1x16xf32>,
        %get3A_479 = vector.shape_cast %get3A_478 : vector<1x16xf32> to vector<16xf32>
        %mul3A_480 = arith.mulf %get3A_479, %broadcast_in_dim3A_451 : vector<16xf32>
        %swap3A_481 = arith.index_cast %add3A_455 : i32 to index
        %swap3A_482 = arith.constant 32 : index
        %swap3A_483 = tpu.vector_load %arg11[%swap3A_481, %swap3A_482] {strides = array<i32>} : memref<80x64xf32, #tpu.memory_space<vmem>>, vector<1x16xf32>,
        %swap3A_484 = vector.shape_cast %swap3A_483 : vector<1x16xf32> to vector<16xf32>
        %swap3A_485 = vector.shape_cast %mul3A_480 : vector<16xf32> to vector<1x16xf32>
        tpu.vector_store %arg11[%swap3A_481, %swap3A_482], %swap3A_485 {strides = array<i32>} : memref<80x64xf32, #tpu.memory_space<vmem>>, vector<1x16xf32>,
        %get3A_486 = arith.index_cast %add3A_455 : i32 to index
        %get3A_487 = arith.constant 48 : index
        %get3A_488 = tpu.vector_load %arg11[%get3A_486, %get3A_487] {strides = array<i32>} : memref<80x64xf32, #tpu.memory_space<vmem>>, vector<1x16xf32>,
        %get3A_489 = vector.shape_cast %get3A_488 : vector<1x16xf32> to vector<16xf32>
        %mul3A_490 = arith.mulf %get3A_489, %broadcast_in_dim3A_451 : vector<16xf32>
        %swap3A_491 = arith.index_cast %add3A_455 : i32 to index
        %swap3A_492 = arith.constant 48 : index
        %swap3A_493 = tpu.vector_load %arg11[%swap3A_491, %swap3A_492] {strides = array<i32>} : memref<80x64xf32, #tpu.memory_space<vmem>>, vector<1x16xf32>,
        %swap3A_494 = vector.shape_cast %swap3A_493 : vector<1x16xf32> to vector<16xf32>
        %swap3A_495 = vector.shape_cast %mul3A_490 : vector<16xf32> to vector<1x16xf32>
        tpu.vector_store %arg11[%swap3A_491, %swap3A_492], %swap3A_495 {strides = array<i32>} : memref<80x64xf32, #tpu.memory_space<vmem>>, vector<1x16xf32>,
        %slice3A_496 = vector.extract_strided_slice %get3A_76 {offsets = [9], sizes = [1], strides = [1]} : vector<16xf32> to vector<1xf32>
        %squeeze3A_497 = vector.extract %slice3A_496[0] : f32 from vector<1xf32>
        %broadcast_in_dim3A_498 = vector.broadcast %squeeze3A_497 : f32 to vector<16xf32>
        %mul3A_499 = arith.constant 16 : i32
        %mul3A_500 = arith.muli %scan3A_68, %mul3A_499 : i32
        %add3A_501 = arith.constant 9 : i32
        %add3A_502 = arith.addi %mul3A_500, %add3A_501 : i32
        %get3A_503 = arith.index_cast %add3A_502 : i32 to index
        %get3A_504 = arith.constant 0 : index
        %get3A_505 = tpu.vector_load %arg11[%get3A_503, %get3A_504] {strides = array<i32>} : memref<80x64xf32, #tpu.memory_space<vmem>>, vector<1x16xf32>,
        %get3A_506 = vector.shape_cast %get3A_505 : vector<1x16xf32> to vector<16xf32>
        %mul3A_507 = arith.mulf %get3A_506, %broadcast_in_dim3A_498 : vector<16xf32>
        %swap3A_508 = arith.index_cast %add3A_502 : i32 to index
        %swap3A_509 = arith.constant 0 : index
        %swap3A_510 = tpu.vector_load %arg11[%swap3A_508, %swap3A_509] {strides = array<i32>} : memref<80x64xf32, #tpu.memory_space<vmem>>, vector<1x16xf32>,
        %swap3A_511 = vector.shape_cast %swap3A_510 : vector<1x16xf32> to vector<16xf32>
        %swap3A_512 = vector.shape_cast %mul3A_507 : vector<16xf32> to vector<1x16xf32>
        tpu.vector_store %arg11[%swap3A_508, %swap3A_509], %swap3A_512 {strides = array<i32>} : memref<80x64xf32, #tpu.memory_space<vmem>>, vector<1x16xf32>,
        %get3A_513 = arith.index_cast %add3A_502 : i32 to index
        %get3A_514 = arith.constant 16 : index
        %get3A_515 = tpu.vector_load %arg11[%get3A_513, %get3A_514] {strides = array<i32>} : memref<80x64xf32, #tpu.memory_space<vmem>>, vector<1x16xf32>,
        %get3A_516 = vector.shape_cast %get3A_515 : vector<1x16xf32> to vector<16xf32>
        %mul3A_517 = arith.mulf %get3A_516, %broadcast_in_dim3A_498 : vector<16xf32>
        %swap3A_518 = arith.index_cast %add3A_502 : i32 to index
        %swap3A_519 = arith.constant 16 : index
        %swap3A_520 = tpu.vector_load %arg11[%swap3A_518, %swap3A_519] {strides = array<i32>} : memref<80x64xf32, #tpu.memory_space<vmem>>, vector<1x16xf32>,
        %swap3A_521 = vector.shape_cast %swap3A_520 : vector<1x16xf32> to vector<16xf32>
        %swap3A_522 = vector.shape_cast %mul3A_517 : vector<16xf32> to vector<1x16xf32>
        tpu.vector_store %arg11[%swap3A_518, %swap3A_519], %swap3A_522 {strides = array<i32>} : memref<80x64xf32, #tpu.memory_space<vmem>>, vector<1x16xf32>,
        %get3A_523 = arith.index_cast %add3A_502 : i32 to index
        %get3A_524 = arith.constant 32 : index
        %get3A_525 = tpu.vector_load %arg11[%get3A_523, %get3A_524] {strides = array<i32>} : memref<80x64xf32, #tpu.memory_space<vmem>>, vector<1x16xf32>,
        %get3A_526 = vector.shape_cast %get3A_525 : vector<1x16xf32> to vector<16xf32>
        %mul3A_527 = arith.mulf %get3A_526, %broadcast_in_dim3A_498 : vector<16xf32>
        %swap3A_528 = arith.index_cast %add3A_502 : i32 to index
        %swap3A_529 = arith.constant 32 : index
        %swap3A_530 = tpu.vector_load %arg11[%swap3A_528, %swap3A_529] {strides = array<i32>} : memref<80x64xf32, #tpu.memory_space<vmem>>, vector<1x16xf32>,
        %swap3A_531 = vector.shape_cast %swap3A_530 : vector<1x16xf32> to vector<16xf32>
        %swap3A_532 = vector.shape_cast %mul3A_527 : vector<16xf32> to vector<1x16xf32>
        tpu.vector_store %arg11[%swap3A_528, %swap3A_529], %swap3A_532 {strides = array<i32>} : memref<80x64xf32, #tpu.memory_space<vmem>>, vector<1x16xf32>,
        %get3A_533 = arith.index_cast %add3A_502 : i32 to index
        %get3A_534 = arith.constant 48 : index
        %get3A_535 = tpu.vector_load %arg11[%get3A_533, %get3A_534] {strides = array<i32>} : memref<80x64xf32, #tpu.memory_space<vmem>>, vector<1x16xf32>,
        %get3A_536 = vector.shape_cast %get3A_535 : vector<1x16xf32> to vector<16xf32>
        %mul3A_537 = arith.mulf %get3A_536, %broadcast_in_dim3A_498 : vector<16xf32>
        %swap3A_538 = arith.index_cast %add3A_502 : i32 to index
        %swap3A_539 = arith.constant 48 : index
        %swap3A_540 = tpu.vector_load %arg11[%swap3A_538, %swap3A_539] {strides = array<i32>} : memref<80x64xf32, #tpu.memory_space<vmem>>, vector<1x16xf32>,
        %swap3A_541 = vector.shape_cast %swap3A_540 : vector<1x16xf32> to vector<16xf32>
        %swap3A_542 = vector.shape_cast %mul3A_537 : vector<16xf32> to vector<1x16xf32>
        tpu.vector_store %arg11[%swap3A_538, %swap3A_539], %swap3A_542 {strides = array<i32>} : memref<80x64xf32, #tpu.memory_space<vmem>>, vector<1x16xf32>,
        %slice3A_543 = vector.extract_strided_slice %get3A_76 {offsets = [10], sizes = [1], strides = [1]} : vector<16xf32> to vector<1xf32>
        %squeeze3A_544 = vector.extract %slice3A_543[0] : f32 from vector<1xf32>
        %broadcast_in_dim3A_545 = vector.broadcast %squeeze3A_544 : f32 to vector<16xf32>
        %mul3A_546 = arith.constant 16 : i32
        %mul3A_547 = arith.muli %scan3A_68, %mul3A_546 : i32
        %add3A_548 = arith.constant 10 : i32
        %add3A_549 = arith.addi %mul3A_547, %add3A_548 : i32
        %get3A_550 = arith.index_cast %add3A_549 : i32 to index
        %get3A_551 = arith.constant 0 : index
        %get3A_552 = tpu.vector_load %arg11[%get3A_550, %get3A_551] {strides = array<i32>} : memref<80x64xf32, #tpu.memory_space<vmem>>, vector<1x16xf32>,
        %get3A_553 = vector.shape_cast %get3A_552 : vector<1x16xf32> to vector<16xf32>
        %mul3A_554 = arith.mulf %get3A_553, %broadcast_in_dim3A_545 : vector<16xf32>
        %swap3A_555 = arith.index_cast %add3A_549 : i32 to index
        %swap3A_556 = arith.constant 0 : index
        %swap3A_557 = tpu.vector_load %arg11[%swap3A_555, %swap3A_556] {strides = array<i32>} : memref<80x64xf32, #tpu.memory_space<vmem>>, vector<1x16xf32>,
        %swap3A_558 = vector.shape_cast %swap3A_557 : vector<1x16xf32> to vector<16xf32>
        %swap3A_559 = vector.shape_cast %mul3A_554 : vector<16xf32> to vector<1x16xf32>
        tpu.vector_store %arg11[%swap3A_555, %swap3A_556], %swap3A_559 {strides = array<i32>} : memref<80x64xf32, #tpu.memory_space<vmem>>, vector<1x16xf32>,
        %get3A_560 = arith.index_cast %add3A_549 : i32 to index
        %get3A_561 = arith.constant 16 : index
        %get3A_562 = tpu.vector_load %arg11[%get3A_560, %get3A_561] {strides = array<i32>} : memref<80x64xf32, #tpu.memory_space<vmem>>, vector<1x16xf32>,
        %get3A_563 = vector.shape_cast %get3A_562 : vector<1x16xf32> to vector<16xf32>
        %mul3A_564 = arith.mulf %get3A_563, %broadcast_in_dim3A_545 : vector<16xf32>
        %swap3A_565 = arith.index_cast %add3A_549 : i32 to index
        %swap3A_566 = arith.constant 16 : index
        %swap3A_567 = tpu.vector_load %arg11[%swap3A_565, %swap3A_566] {strides = array<i32>} : memref<80x64xf32, #tpu.memory_space<vmem>>, vector<1x16xf32>,
        %swap3A_568 = vector.shape_cast %swap3A_567 : vector<1x16xf32> to vector<16xf32>
        %swap3A_569 = vector.shape_cast %mul3A_564 : vector<16xf32> to vector<1x16xf32>
        tpu.vector_store %arg11[%swap3A_565, %swap3A_566], %swap3A_569 {strides = array<i32>} : memref<80x64xf32, #tpu.memory_space<vmem>>, vector<1x16xf32>,
        %get3A_570 = arith.index_cast %add3A_549 : i32 to index
        %get3A_571 = arith.constant 32 : index
        %get3A_572 = tpu.vector_load %arg11[%get3A_570, %get3A_571] {strides = array<i32>} : memref<80x64xf32, #tpu.memory_space<vmem>>, vector<1x16xf32>,
        %get3A_573 = vector.shape_cast %get3A_572 : vector<1x16xf32> to vector<16xf32>
        %mul3A_574 = arith.mulf %get3A_573, %broadcast_in_dim3A_545 : vector<16xf32>
        %swap3A_575 = arith.index_cast %add3A_549 : i32 to index
        %swap3A_576 = arith.constant 32 : index
        %swap3A_577 = tpu.vector_load %arg11[%swap3A_575, %swap3A_576] {strides = array<i32>} : memref<80x64xf32, #tpu.memory_space<vmem>>, vector<1x16xf32>,
        %swap3A_578 = vector.shape_cast %swap3A_577 : vector<1x16xf32> to vector<16xf32>
        %swap3A_579 = vector.shape_cast %mul3A_574 : vector<16xf32> to vector<1x16xf32>
        tpu.vector_store %arg11[%swap3A_575, %swap3A_576], %swap3A_579 {strides = array<i32>} : memref<80x64xf32, #tpu.memory_space<vmem>>, vector<1x16xf32>,
        %get3A_580 = arith.index_cast %add3A_549 : i32 to index
        %get3A_581 = arith.constant 48 : index
        %get3A_582 = tpu.vector_load %arg11[%get3A_580, %get3A_581] {strides = array<i32>} : memref<80x64xf32, #tpu.memory_space<vmem>>, vector<1x16xf32>,
        %get3A_583 = vector.shape_cast %get3A_582 : vector<1x16xf32> to vector<16xf32>
        %mul3A_584 = arith.mulf %get3A_583, %broadcast_in_dim3A_545 : vector<16xf32>
        %swap3A_585 = arith.index_cast %add3A_549 : i32 to index
        %swap3A_586 = arith.constant 48 : index
        %swap3A_587 = tpu.vector_load %arg11[%swap3A_585, %swap3A_586] {strides = array<i32>} : memref<80x64xf32, #tpu.memory_space<vmem>>, vector<1x16xf32>,
        %swap3A_588 = vector.shape_cast %swap3A_587 : vector<1x16xf32> to vector<16xf32>
        %swap3A_589 = vector.shape_cast %mul3A_584 : vector<16xf32> to vector<1x16xf32>
        tpu.vector_store %arg11[%swap3A_585, %swap3A_586], %swap3A_589 {strides = array<i32>} : memref<80x64xf32, #tpu.memory_space<vmem>>, vector<1x16xf32>,
        %slice3A_590 = vector.extract_strided_slice %get3A_76 {offsets = [11], sizes = [1], strides = [1]} : vector<16xf32> to vector<1xf32>
        %squeeze3A_591 = vector.extract %slice3A_590[0] : f32 from vector<1xf32>
        %broadcast_in_dim3A_592 = vector.broadcast %squeeze3A_591 : f32 to vector<16xf32>
        %mul3A_593 = arith.constant 16 : i32
        %mul3A_594 = arith.muli %scan3A_68, %mul3A_593 : i32
        %add3A_595 = arith.constant 11 : i32
        %add3A_596 = arith.addi %mul3A_594, %add3A_595 : i32
        %get3A_597 = arith.index_cast %add3A_596 : i32 to index
        %get3A_598 = arith.constant 0 : index
        %get3A_599 = tpu.vector_load %arg11[%get3A_597, %get3A_598] {strides = array<i32>} : memref<80x64xf32, #tpu.memory_space<vmem>>, vector<1x16xf32>,
        %get3A_600 = vector.shape_cast %get3A_599 : vector<1x16xf32> to vector<16xf32>
        %mul3A_601 = arith.mulf %get3A_600, %broadcast_in_dim3A_592 : vector<16xf32>
        %swap3A_602 = arith.index_cast %add3A_596 : i32 to index
        %swap3A_603 = arith.constant 0 : index
        %swap3A_604 = tpu.vector_load %arg11[%swap3A_602, %swap3A_603] {strides = array<i32>} : memref<80x64xf32, #tpu.memory_space<vmem>>, vector<1x16xf32>,
        %swap3A_605 = vector.shape_cast %swap3A_604 : vector<1x16xf32> to vector<16xf32>
        %swap3A_606 = vector.shape_cast %mul3A_601 : vector<16xf32> to vector<1x16xf32>
        tpu.vector_store %arg11[%swap3A_602, %swap3A_603], %swap3A_606 {strides = array<i32>} : memref<80x64xf32, #tpu.memory_space<vmem>>, vector<1x16xf32>,
        %get3A_607 = arith.index_cast %add3A_596 : i32 to index
        %get3A_608 = arith.constant 16 : index
        %get3A_609 = tpu.vector_load %arg11[%get3A_607, %get3A_608] {strides = array<i32>} : memref<80x64xf32, #tpu.memory_space<vmem>>, vector<1x16xf32>,
        %get3A_610 = vector.shape_cast %get3A_609 : vector<1x16xf32> to vector<16xf32>
        %mul3A_611 = arith.mulf %get3A_610, %broadcast_in_dim3A_592 : vector<16xf32>
        %swap3A_612 = arith.index_cast %add3A_596 : i32 to index
        %swap3A_613 = arith.constant 16 : index
        %swap3A_614 = tpu.vector_load %arg11[%swap3A_612, %swap3A_613] {strides = array<i32>} : memref<80x64xf32, #tpu.memory_space<vmem>>, vector<1x16xf32>,
        %swap3A_615 = vector.shape_cast %swap3A_614 : vector<1x16xf32> to vector<16xf32>
        %swap3A_616 = vector.shape_cast %mul3A_611 : vector<16xf32> to vector<1x16xf32>
        tpu.vector_store %arg11[%swap3A_612, %swap3A_613], %swap3A_616 {strides = array<i32>} : memref<80x64xf32, #tpu.memory_space<vmem>>, vector<1x16xf32>,
        %get3A_617 = arith.index_cast %add3A_596 : i32 to index
        %get3A_618 = arith.constant 32 : index
        %get3A_619 = tpu.vector_load %arg11[%get3A_617, %get3A_618] {strides = array<i32>} : memref<80x64xf32, #tpu.memory_space<vmem>>, vector<1x16xf32>,
        %get3A_620 = vector.shape_cast %get3A_619 : vector<1x16xf32> to vector<16xf32>
        %mul3A_621 = arith.mulf %get3A_620, %broadcast_in_dim3A_592 : vector<16xf32>
        %swap3A_622 = arith.index_cast %add3A_596 : i32 to index
        %swap3A_623 = arith.constant 32 : index
        %swap3A_624 = tpu.vector_load %arg11[%swap3A_622, %swap3A_623] {strides = array<i32>} : memref<80x64xf32, #tpu.memory_space<vmem>>, vector<1x16xf32>,
        %swap3A_625 = vector.shape_cast %swap3A_624 : vector<1x16xf32> to vector<16xf32>
        %swap3A_626 = vector.shape_cast %mul3A_621 : vector<16xf32> to vector<1x16xf32>
        tpu.vector_store %arg11[%swap3A_622, %swap3A_623], %swap3A_626 {strides = array<i32>} : memref<80x64xf32, #tpu.memory_space<vmem>>, vector<1x16xf32>,
        %get3A_627 = arith.index_cast %add3A_596 : i32 to index
        %get3A_628 = arith.constant 48 : index
        %get3A_629 = tpu.vector_load %arg11[%get3A_627, %get3A_628] {strides = array<i32>} : memref<80x64xf32, #tpu.memory_space<vmem>>, vector<1x16xf32>,
        %get3A_630 = vector.shape_cast %get3A_629 : vector<1x16xf32> to vector<16xf32>
        %mul3A_631 = arith.mulf %get3A_630, %broadcast_in_dim3A_592 : vector<16xf32>
        %swap3A_632 = arith.index_cast %add3A_596 : i32 to index
        %swap3A_633 = arith.constant 48 : index
        %swap3A_634 = tpu.vector_load %arg11[%swap3A_632, %swap3A_633] {strides = array<i32>} : memref<80x64xf32, #tpu.memory_space<vmem>>, vector<1x16xf32>,
        %swap3A_635 = vector.shape_cast %swap3A_634 : vector<1x16xf32> to vector<16xf32>
        %swap3A_636 = vector.shape_cast %mul3A_631 : vector<16xf32> to vector<1x16xf32>
        tpu.vector_store %arg11[%swap3A_632, %swap3A_633], %swap3A_636 {strides = array<i32>} : memref<80x64xf32, #tpu.memory_space<vmem>>, vector<1x16xf32>,
        %slice3A_637 = vector.extract_strided_slice %get3A_76 {offsets = [12], sizes = [1], strides = [1]} : vector<16xf32> to vector<1xf32>
        %squeeze3A_638 = vector.extract %slice3A_637[0] : f32 from vector<1xf32>
        %broadcast_in_dim3A_639 = vector.broadcast %squeeze3A_638 : f32 to vector<16xf32>
        %mul3A_640 = arith.constant 16 : i32
        %mul3A_641 = arith.muli %scan3A_68, %mul3A_640 : i32
        %add3A_642 = arith.constant 12 : i32
        %add3A_643 = arith.addi %mul3A_641, %add3A_642 : i32
        %get3A_644 = arith.index_cast %add3A_643 : i32 to index
        %get3A_645 = arith.constant 0 : index
        %get3A_646 = tpu.vector_load %arg11[%get3A_644, %get3A_645] {strides = array<i32>} : memref<80x64xf32, #tpu.memory_space<vmem>>, vector<1x16xf32>,
        %get3A_647 = vector.shape_cast %get3A_646 : vector<1x16xf32> to vector<16xf32>
        %mul3A_648 = arith.mulf %get3A_647, %broadcast_in_dim3A_639 : vector<16xf32>
        %swap3A_649 = arith.index_cast %add3A_643 : i32 to index
        %swap3A_650 = arith.constant 0 : index
        %swap3A_651 = tpu.vector_load %arg11[%swap3A_649, %swap3A_650] {strides = array<i32>} : memref<80x64xf32, #tpu.memory_space<vmem>>, vector<1x16xf32>,
        %swap3A_652 = vector.shape_cast %swap3A_651 : vector<1x16xf32> to vector<16xf32>
        %swap3A_653 = vector.shape_cast %mul3A_648 : vector<16xf32> to vector<1x16xf32>
        tpu.vector_store %arg11[%swap3A_649, %swap3A_650], %swap3A_653 {strides = array<i32>} : memref<80x64xf32, #tpu.memory_space<vmem>>, vector<1x16xf32>,
        %get3A_654 = arith.index_cast %add3A_643 : i32 to index
        %get3A_655 = arith.constant 16 : index
        %get3A_656 = tpu.vector_load %arg11[%get3A_654, %get3A_655] {strides = array<i32>} : memref<80x64xf32, #tpu.memory_space<vmem>>, vector<1x16xf32>,
        %get3A_657 = vector.shape_cast %get3A_656 : vector<1x16xf32> to vector<16xf32>
        %mul3A_658 = arith.mulf %get3A_657, %broadcast_in_dim3A_639 : vector<16xf32>
        %swap3A_659 = arith.index_cast %add3A_643 : i32 to index
        %swap3A_660 = arith.constant 16 : index
        %swap3A_661 = tpu.vector_load %arg11[%swap3A_659, %swap3A_660] {strides = array<i32>} : memref<80x64xf32, #tpu.memory_space<vmem>>, vector<1x16xf32>,
        %swap3A_662 = vector.shape_cast %swap3A_661 : vector<1x16xf32> to vector<16xf32>
        %swap3A_663 = vector.shape_cast %mul3A_658 : vector<16xf32> to vector<1x16xf32>
        tpu.vector_store %arg11[%swap3A_659, %swap3A_660], %swap3A_663 {strides = array<i32>} : memref<80x64xf32, #tpu.memory_space<vmem>>, vector<1x16xf32>,
        %get3A_664 = arith.index_cast %add3A_643 : i32 to index
        %get3A_665 = arith.constant 32 : index
        %get3A_666 = tpu.vector_load %arg11[%get3A_664, %get3A_665] {strides = array<i32>} : memref<80x64xf32, #tpu.memory_space<vmem>>, vector<1x16xf32>,
        %get3A_667 = vector.shape_cast %get3A_666 : vector<1x16xf32> to vector<16xf32>
        %mul3A_668 = arith.mulf %get3A_667, %broadcast_in_dim3A_639 : vector<16xf32>
        %swap3A_669 = arith.index_cast %add3A_643 : i32 to index
        %swap3A_670 = arith.constant 32 : index
        %swap3A_671 = tpu.vector_load %arg11[%swap3A_669, %swap3A_670] {strides = array<i32>} : memref<80x64xf32, #tpu.memory_space<vmem>>, vector<1x16xf32>,
        %swap3A_672 = vector.shape_cast %swap3A_671 : vector<1x16xf32> to vector<16xf32>
        %swap3A_673 = vector.shape_cast %mul3A_668 : vector<16xf32> to vector<1x16xf32>
        tpu.vector_store %arg11[%swap3A_669, %swap3A_670], %swap3A_673 {strides = array<i32>} : memref<80x64xf32, #tpu.memory_space<vmem>>, vector<1x16xf32>,
        %get3A_674 = arith.index_cast %add3A_643 : i32 to index
        %get3A_675 = arith.constant 48 : index
        %get3A_676 = tpu.vector_load %arg11[%get3A_674, %get3A_675] {strides = array<i32>} : memref<80x64xf32, #tpu.memory_space<vmem>>, vector<1x16xf32>,
        %get3A_677 = vector.shape_cast %get3A_676 : vector<1x16xf32> to vector<16xf32>
        %mul3A_678 = arith.mulf %get3A_677, %broadcast_in_dim3A_639 : vector<16xf32>
        %swap3A_679 = arith.index_cast %add3A_643 : i32 to index
        %swap3A_680 = arith.constant 48 : index
        %swap3A_681 = tpu.vector_load %arg11[%swap3A_679, %swap3A_680] {strides = array<i32>} : memref<80x64xf32, #tpu.memory_space<vmem>>, vector<1x16xf32>,
        %swap3A_682 = vector.shape_cast %swap3A_681 : vector<1x16xf32> to vector<16xf32>
        %swap3A_683 = vector.shape_cast %mul3A_678 : vector<16xf32> to vector<1x16xf32>
        tpu.vector_store %arg11[%swap3A_679, %swap3A_680], %swap3A_683 {strides = array<i32>} : memref<80x64xf32, #tpu.memory_space<vmem>>, vector<1x16xf32>,
        %slice3A_684 = vector.extract_strided_slice %get3A_76 {offsets = [13], sizes = [1], strides = [1]} : vector<16xf32> to vector<1xf32>
        %squeeze3A_685 = vector.extract %slice3A_684[0] : f32 from vector<1xf32>
        %broadcast_in_dim3A_686 = vector.broadcast %squeeze3A_685 : f32 to vector<16xf32>
        %mul3A_687 = arith.constant 16 : i32
        %mul3A_688 = arith.muli %scan3A_68, %mul3A_687 : i32
        %add3A_689 = arith.constant 13 : i32
        %add3A_690 = arith.addi %mul3A_688, %add3A_689 : i32
        %get3A_691 = arith.index_cast %add3A_690 : i32 to index
        %get3A_692 = arith.constant 0 : index
        %get3A_693 = tpu.vector_load %arg11[%get3A_691, %get3A_692] {strides = array<i32>} : memref<80x64xf32, #tpu.memory_space<vmem>>, vector<1x16xf32>,
        %get3A_694 = vector.shape_cast %get3A_693 : vector<1x16xf32> to vector<16xf32>
        %mul3A_695 = arith.mulf %get3A_694, %broadcast_in_dim3A_686 : vector<16xf32>
        %swap3A_696 = arith.index_cast %add3A_690 : i32 to index
        %swap3A_697 = arith.constant 0 : index
        %swap3A_698 = tpu.vector_load %arg11[%swap3A_696, %swap3A_697] {strides = array<i32>} : memref<80x64xf32, #tpu.memory_space<vmem>>, vector<1x16xf32>,
        %swap3A_699 = vector.shape_cast %swap3A_698 : vector<1x16xf32> to vector<16xf32>
        %swap3A_700 = vector.shape_cast %mul3A_695 : vector<16xf32> to vector<1x16xf32>
        tpu.vector_store %arg11[%swap3A_696, %swap3A_697], %swap3A_700 {strides = array<i32>} : memref<80x64xf32, #tpu.memory_space<vmem>>, vector<1x16xf32>,
        %get3A_701 = arith.index_cast %add3A_690 : i32 to index
        %get3A_702 = arith.constant 16 : index
        %get3A_703 = tpu.vector_load %arg11[%get3A_701, %get3A_702] {strides = array<i32>} : memref<80x64xf32, #tpu.memory_space<vmem>>, vector<1x16xf32>,
        %get3A_704 = vector.shape_cast %get3A_703 : vector<1x16xf32> to vector<16xf32>
        %mul3A_705 = arith.mulf %get3A_704, %broadcast_in_dim3A_686 : vector<16xf32>
        %swap3A_706 = arith.index_cast %add3A_690 : i32 to index
        %swap3A_707 = arith.constant 16 : index
        %swap3A_708 = tpu.vector_load %arg11[%swap3A_706, %swap3A_707] {strides = array<i32>} : memref<80x64xf32, #tpu.memory_space<vmem>>, vector<1x16xf32>,
        %swap3A_709 = vector.shape_cast %swap3A_708 : vector<1x16xf32> to vector<16xf32>
        %swap3A_710 = vector.shape_cast %mul3A_705 : vector<16xf32> to vector<1x16xf32>
        tpu.vector_store %arg11[%swap3A_706, %swap3A_707], %swap3A_710 {strides = array<i32>} : memref<80x64xf32, #tpu.memory_space<vmem>>, vector<1x16xf32>,
        %get3A_711 = arith.index_cast %add3A_690 : i32 to index
        %get3A_712 = arith.constant 32 : index
        %get3A_713 = tpu.vector_load %arg11[%get3A_711, %get3A_712] {strides = array<i32>} : memref<80x64xf32, #tpu.memory_space<vmem>>, vector<1x16xf32>,
        %get3A_714 = vector.shape_cast %get3A_713 : vector<1x16xf32> to vector<16xf32>
        %mul3A_715 = arith.mulf %get3A_714, %broadcast_in_dim3A_686 : vector<16xf32>
        %swap3A_716 = arith.index_cast %add3A_690 : i32 to index
        %swap3A_717 = arith.constant 32 : index
        %swap3A_718 = tpu.vector_load %arg11[%swap3A_716, %swap3A_717] {strides = array<i32>} : memref<80x64xf32, #tpu.memory_space<vmem>>, vector<1x16xf32>,
        %swap3A_719 = vector.shape_cast %swap3A_718 : vector<1x16xf32> to vector<16xf32>
        %swap3A_720 = vector.shape_cast %mul3A_715 : vector<16xf32> to vector<1x16xf32>
        tpu.vector_store %arg11[%swap3A_716, %swap3A_717], %swap3A_720 {strides = array<i32>} : memref<80x64xf32, #tpu.memory_space<vmem>>, vector<1x16xf32>,
        %get3A_721 = arith.index_cast %add3A_690 : i32 to index
        %get3A_722 = arith.constant 48 : index
        %get3A_723 = tpu.vector_load %arg11[%get3A_721, %get3A_722] {strides = array<i32>} : memref<80x64xf32, #tpu.memory_space<vmem>>, vector<1x16xf32>,
        %get3A_724 = vector.shape_cast %get3A_723 : vector<1x16xf32> to vector<16xf32>
        %mul3A_725 = arith.mulf %get3A_724, %broadcast_in_dim3A_686 : vector<16xf32>
        %swap3A_726 = arith.index_cast %add3A_690 : i32 to index
        %swap3A_727 = arith.constant 48 : index
        %swap3A_728 = tpu.vector_load %arg11[%swap3A_726, %swap3A_727] {strides = array<i32>} : memref<80x64xf32, #tpu.memory_space<vmem>>, vector<1x16xf32>,
        %swap3A_729 = vector.shape_cast %swap3A_728 : vector<1x16xf32> to vector<16xf32>
        %swap3A_730 = vector.shape_cast %mul3A_725 : vector<16xf32> to vector<1x16xf32>
        tpu.vector_store %arg11[%swap3A_726, %swap3A_727], %swap3A_730 {strides = array<i32>} : memref<80x64xf32, #tpu.memory_space<vmem>>, vector<1x16xf32>,
        %slice3A_731 = vector.extract_strided_slice %get3A_76 {offsets = [14], sizes = [1], strides = [1]} : vector<16xf32> to vector<1xf32>
        %squeeze3A_732 = vector.extract %slice3A_731[0] : f32 from vector<1xf32>
        %broadcast_in_dim3A_733 = vector.broadcast %squeeze3A_732 : f32 to vector<16xf32>
        %mul3A_734 = arith.constant 16 : i32
        %mul3A_735 = arith.muli %scan3A_68, %mul3A_734 : i32
        %add3A_736 = arith.constant 14 : i32
        %add3A_737 = arith.addi %mul3A_735, %add3A_736 : i32
        %get3A_738 = arith.index_cast %add3A_737 : i32 to index
        %get3A_739 = arith.constant 0 : index
        %get3A_740 = tpu.vector_load %arg11[%get3A_738, %get3A_739] {strides = array<i32>} : memref<80x64xf32, #tpu.memory_space<vmem>>, vector<1x16xf32>,
        %get3A_741 = vector.shape_cast %get3A_740 : vector<1x16xf32> to vector<16xf32>
        %mul3A_742 = arith.mulf %get3A_741, %broadcast_in_dim3A_733 : vector<16xf32>
        %swap3A_743 = arith.index_cast %add3A_737 : i32 to index
        %swap3A_744 = arith.constant 0 : index
        %swap3A_745 = tpu.vector_load %arg11[%swap3A_743, %swap3A_744] {strides = array<i32>} : memref<80x64xf32, #tpu.memory_space<vmem>>, vector<1x16xf32>,
        %swap3A_746 = vector.shape_cast %swap3A_745 : vector<1x16xf32> to vector<16xf32>
        %swap3A_747 = vector.shape_cast %mul3A_742 : vector<16xf32> to vector<1x16xf32>
        tpu.vector_store %arg11[%swap3A_743, %swap3A_744], %swap3A_747 {strides = array<i32>} : memref<80x64xf32, #tpu.memory_space<vmem>>, vector<1x16xf32>,
        %get3A_748 = arith.index_cast %add3A_737 : i32 to index
        %get3A_749 = arith.constant 16 : index
        %get3A_750 = tpu.vector_load %arg11[%get3A_748, %get3A_749] {strides = array<i32>} : memref<80x64xf32, #tpu.memory_space<vmem>>, vector<1x16xf32>,
        %get3A_751 = vector.shape_cast %get3A_750 : vector<1x16xf32> to vector<16xf32>
        %mul3A_752 = arith.mulf %get3A_751, %broadcast_in_dim3A_733 : vector<16xf32>
        %swap3A_753 = arith.index_cast %add3A_737 : i32 to index
        %swap3A_754 = arith.constant 16 : index
        %swap3A_755 = tpu.vector_load %arg11[%swap3A_753, %swap3A_754] {strides = array<i32>} : memref<80x64xf32, #tpu.memory_space<vmem>>, vector<1x16xf32>,
        %swap3A_756 = vector.shape_cast %swap3A_755 : vector<1x16xf32> to vector<16xf32>
        %swap3A_757 = vector.shape_cast %mul3A_752 : vector<16xf32> to vector<1x16xf32>
        tpu.vector_store %arg11[%swap3A_753, %swap3A_754], %swap3A_757 {strides = array<i32>} : memref<80x64xf32, #tpu.memory_space<vmem>>, vector<1x16xf32>,
        %get3A_758 = arith.index_cast %add3A_737 : i32 to index
        %get3A_759 = arith.constant 32 : index
        %get3A_760 = tpu.vector_load %arg11[%get3A_758, %get3A_759] {strides = array<i32>} : memref<80x64xf32, #tpu.memory_space<vmem>>, vector<1x16xf32>,
        %get3A_761 = vector.shape_cast %get3A_760 : vector<1x16xf32> to vector<16xf32>
        %mul3A_762 = arith.mulf %get3A_761, %broadcast_in_dim3A_733 : vector<16xf32>
        %swap3A_763 = arith.index_cast %add3A_737 : i32 to index
        %swap3A_764 = arith.constant 32 : index
        %swap3A_765 = tpu.vector_load %arg11[%swap3A_763, %swap3A_764] {strides = array<i32>} : memref<80x64xf32, #tpu.memory_space<vmem>>, vector<1x16xf32>,
        %swap3A_766 = vector.shape_cast %swap3A_765 : vector<1x16xf32> to vector<16xf32>
        %swap3A_767 = vector.shape_cast %mul3A_762 : vector<16xf32> to vector<1x16xf32>
        tpu.vector_store %arg11[%swap3A_763, %swap3A_764], %swap3A_767 {strides = array<i32>} : memref<80x64xf32, #tpu.memory_space<vmem>>, vector<1x16xf32>,
        %get3A_768 = arith.index_cast %add3A_737 : i32 to index
        %get3A_769 = arith.constant 48 : index
        %get3A_770 = tpu.vector_load %arg11[%get3A_768, %get3A_769] {strides = array<i32>} : memref<80x64xf32, #tpu.memory_space<vmem>>, vector<1x16xf32>,
        %get3A_771 = vector.shape_cast %get3A_770 : vector<1x16xf32> to vector<16xf32>
        %mul3A_772 = arith.mulf %get3A_771, %broadcast_in_dim3A_733 : vector<16xf32>
        %swap3A_773 = arith.index_cast %add3A_737 : i32 to index
        %swap3A_774 = arith.constant 48 : index
        %swap3A_775 = tpu.vector_load %arg11[%swap3A_773, %swap3A_774] {strides = array<i32>} : memref<80x64xf32, #tpu.memory_space<vmem>>, vector<1x16xf32>,
        %swap3A_776 = vector.shape_cast %swap3A_775 : vector<1x16xf32> to vector<16xf32>
        %swap3A_777 = vector.shape_cast %mul3A_772 : vector<16xf32> to vector<1x16xf32>
        tpu.vector_store %arg11[%swap3A_773, %swap3A_774], %swap3A_777 {strides = array<i32>} : memref<80x64xf32, #tpu.memory_space<vmem>>, vector<1x16xf32>,
        %slice3A_778 = vector.extract_strided_slice %get3A_76 {offsets = [15], sizes = [1], strides = [1]} : vector<16xf32> to vector<1xf32>
        %squeeze3A_779 = vector.extract %slice3A_778[0] : f32 from vector<1xf32>
        %broadcast_in_dim3A_780 = vector.broadcast %squeeze3A_779 : f32 to vector<16xf32>
        %mul3A_781 = arith.constant 16 : i32
        %mul3A_782 = arith.muli %scan3A_68, %mul3A_781 : i32
        %add3A_783 = arith.constant 15 : i32
        %add3A_784 = arith.addi %mul3A_782, %add3A_783 : i32
        %get3A_785 = arith.index_cast %add3A_784 : i32 to index
        %get3A_786 = arith.constant 0 : index
        %get3A_787 = tpu.vector_load %arg11[%get3A_785, %get3A_786] {strides = array<i32>} : memref<80x64xf32, #tpu.memory_space<vmem>>, vector<1x16xf32>,
        %get3A_788 = vector.shape_cast %get3A_787 : vector<1x16xf32> to vector<16xf32>
        %mul3A_789 = arith.mulf %get3A_788, %broadcast_in_dim3A_780 : vector<16xf32>
        %swap3A_790 = arith.index_cast %add3A_784 : i32 to index
        %swap3A_791 = arith.constant 0 : index
        %swap3A_792 = tpu.vector_load %arg11[%swap3A_790, %swap3A_791] {strides = array<i32>} : memref<80x64xf32, #tpu.memory_space<vmem>>, vector<1x16xf32>,
        %swap3A_793 = vector.shape_cast %swap3A_792 : vector<1x16xf32> to vector<16xf32>
        %swap3A_794 = vector.shape_cast %mul3A_789 : vector<16xf32> to vector<1x16xf32>
        tpu.vector_store %arg11[%swap3A_790, %swap3A_791], %swap3A_794 {strides = array<i32>} : memref<80x64xf32, #tpu.memory_space<vmem>>, vector<1x16xf32>,
        %get3A_795 = arith.index_cast %add3A_784 : i32 to index
        %get3A_796 = arith.constant 16 : index
        %get3A_797 = tpu.vector_load %arg11[%get3A_795, %get3A_796] {strides = array<i32>} : memref<80x64xf32, #tpu.memory_space<vmem>>, vector<1x16xf32>,
        %get3A_798 = vector.shape_cast %get3A_797 : vector<1x16xf32> to vector<16xf32>
        %mul3A_799 = arith.mulf %get3A_798, %broadcast_in_dim3A_780 : vector<16xf32>
        %swap3A_800 = arith.index_cast %add3A_784 : i32 to index
        %swap3A_801 = arith.constant 16 : index
        %swap3A_802 = tpu.vector_load %arg11[%swap3A_800, %swap3A_801] {strides = array<i32>} : memref<80x64xf32, #tpu.memory_space<vmem>>, vector<1x16xf32>,
        %swap3A_803 = vector.shape_cast %swap3A_802 : vector<1x16xf32> to vector<16xf32>
        %swap3A_804 = vector.shape_cast %mul3A_799 : vector<16xf32> to vector<1x16xf32>
        tpu.vector_store %arg11[%swap3A_800, %swap3A_801], %swap3A_804 {strides = array<i32>} : memref<80x64xf32, #tpu.memory_space<vmem>>, vector<1x16xf32>,
        %get3A_805 = arith.index_cast %add3A_784 : i32 to index
        %get3A_806 = arith.constant 32 : index
        %get3A_807 = tpu.vector_load %arg11[%get3A_805, %get3A_806] {strides = array<i32>} : memref<80x64xf32, #tpu.memory_space<vmem>>, vector<1x16xf32>,
        %get3A_808 = vector.shape_cast %get3A_807 : vector<1x16xf32> to vector<16xf32>
        %mul3A_809 = arith.mulf %get3A_808, %broadcast_in_dim3A_780 : vector<16xf32>
        %swap3A_810 = arith.index_cast %add3A_784 : i32 to index
        %swap3A_811 = arith.constant 32 : index
        %swap3A_812 = tpu.vector_load %arg11[%swap3A_810, %swap3A_811] {strides = array<i32>} : memref<80x64xf32, #tpu.memory_space<vmem>>, vector<1x16xf32>,
        %swap3A_813 = vector.shape_cast %swap3A_812 : vector<1x16xf32> to vector<16xf32>
        %swap3A_814 = vector.shape_cast %mul3A_809 : vector<16xf32> to vector<1x16xf32>
        tpu.vector_store %arg11[%swap3A_810, %swap3A_811], %swap3A_814 {strides = array<i32>} : memref<80x64xf32, #tpu.memory_space<vmem>>, vector<1x16xf32>,
        %get3A_815 = arith.index_cast %add3A_784 : i32 to index
        %get3A_816 = arith.constant 48 : index
        %get3A_817 = tpu.vector_load %arg11[%get3A_815, %get3A_816] {strides = array<i32>} : memref<80x64xf32, #tpu.memory_space<vmem>>, vector<1x16xf32>,
        %get3A_818 = vector.shape_cast %get3A_817 : vector<1x16xf32> to vector<16xf32>
        %mul3A_819 = arith.mulf %get3A_818, %broadcast_in_dim3A_780 : vector<16xf32>
        %swap3A_820 = arith.index_cast %add3A_784 : i32 to index
        %swap3A_821 = arith.constant 48 : index
        %swap3A_822 = tpu.vector_load %arg11[%swap3A_820, %swap3A_821] {strides = array<i32>} : memref<80x64xf32, #tpu.memory_space<vmem>>, vector<1x16xf32>,
        %swap3A_823 = vector.shape_cast %swap3A_822 : vector<1x16xf32> to vector<16xf32>
        %swap3A_824 = vector.shape_cast %mul3A_819 : vector<16xf32> to vector<1x16xf32>
        tpu.vector_store %arg11[%swap3A_820, %swap3A_821], %swap3A_824 {strides = array<i32>} : memref<80x64xf32, #tpu.memory_space<vmem>>, vector<1x16xf32>,
      }
      %scan3A_67 = arith.constant 5 : i32
      "tpu.region"() ({
        %run_scoped3A = tpu.sem_alloc : memref<!tpu.dma_semaphore, #tpu.memory_space<semaphore_mem>>
        %dma_start3A = arith.constant 0 : i32
        %dma_start3A_68 = tpu.memref_slice %arg9[%scan3A_61, %dma_start3A] : memref<250x80xi32, #tpu.memory_space<vmem>> -> memref<1x80xi32, #tpu.memory_space<vmem>>
        %dma_start3A_69 = tpu.memref_squeeze %dma_start3A_68 : memref<1x80xi32, #tpu.memory_space<vmem>> -> memref<80xi32, #tpu.memory_space<vmem>>
        %dma_start3A_70 = arith.constant 0 : i32
        %dma_start3A_71 = arith.constant 0 : i32
        %dma_start3A_72 = tpu.memref_slice %arg14[%dma_start3A_70, %dma_start3A_71] : memref<10000x64xf32, #tpu.memory_space<vmem_shared>> -> memref<10000x64xf32, #tpu.memory_space<vmem_shared>>
        tpu.enqueue_indirect_dma source(%arg11 : memref<80x64xf32, #tpu.memory_space<vmem>>) target(%dma_start3A_72 : memref<10000x64xf32, #tpu.memory_space<vmem_shared>>) offsets(%dma_start3A_69 : memref<80xi32, #tpu.memory_space<vmem>>) semaphore(%run_scoped3A : memref<!tpu.dma_semaphore, #tpu.memory_space<semaphore_mem>>) {add = true}
        %dma_wait3A = arith.constant 0 : i32
        %dma_wait3A_73 = tpu.memref_slice %arg9[%scan3A_61, %dma_wait3A] : memref<250x80xi32, #tpu.memory_space<vmem>> -> memref<1x80xi32, #tpu.memory_space<vmem>>
        %dma_wait3A_74 = tpu.memref_squeeze %dma_wait3A_73 : memref<1x80xi32, #tpu.memory_space<vmem>> -> memref<80xi32, #tpu.memory_space<vmem>>
        %dma_wait3A_75 = arith.constant 0 : i32
        %dma_wait3A_76 = arith.constant 0 : i32
        %dma_wait3A_77 = tpu.memref_slice %arg14[%dma_wait3A_75, %dma_wait3A_76] : memref<10000x64xf32, #tpu.memory_space<vmem_shared>> -> memref<10000x64xf32, #tpu.memory_space<vmem_shared>>
        tpu.wait_indirect_dma semaphore(%run_scoped3A : memref<!tpu.dma_semaphore, #tpu.memory_space<semaphore_mem>>) src(%arg11 : memref<80x64xf32, #tpu.memory_space<vmem>>) dst(%dma_wait3A_77 : memref<10000x64xf32, #tpu.memory_space<vmem_shared>>)
        tpu.yield
      }) : () -> ()
    }
    %scan3A_50 = arith.constant 250 : i32
    %barrier3A_51 = arith.constant 0 : index
    tpu.barrier barrier_id(%barrier3A_51)
    %mul3A_52 = arith.constant 624 : i32
    %mul3A_53 = arith.muli %arg1, %mul3A_52 : i32
    %mul3A_54 = arith.constant 624 : i32
    %mul3A_55 = arith.muli %arg1, %mul3A_54 : i32
    "tpu.region"() ({
      %run_scoped3A = tpu.sem_alloc : memref<!tpu.dma_semaphore, #tpu.memory_space<semaphore_mem>>
      %dma_start3A = arith.constant 0 : i32
      %dma_start3A_61 = tpu.memref_slice %arg7[%arg0, %mul3A_55, %dma_start3A] : memref<2x10000x64xf32, #tpu.memory_space<hbm>> -> memref<1x624x64xf32, #tpu.memory_space<hbm>>
      %dma_start3A_62 = tpu.memref_squeeze %dma_start3A_61 : memref<1x624x64xf32, #tpu.memory_space<hbm>> -> memref<624x64xf32, #tpu.memory_space<hbm>>
      %dma_start3A_63 = arith.constant 0 : i32
      %dma_start3A_64 = tpu.memref_slice %arg14[%mul3A_53, %dma_start3A_63] : memref<10000x64xf32, #tpu.memory_space<vmem_shared>> -> memref<624x64xf32, #tpu.memory_space<vmem_shared>>
      tpu.enqueue_dma source(%dma_start3A_64 : memref<624x64xf32, #tpu.memory_space<vmem_shared>>) target(%dma_start3A_62 : memref<624x64xf32, #tpu.memory_space<hbm>>) target_semaphore(%run_scoped3A : memref<!tpu.dma_semaphore, #tpu.memory_space<semaphore_mem>>)
      %dma_wait3A = arith.constant 0 : i32
      %dma_wait3A_65 = tpu.memref_slice %arg7[%arg0, %mul3A_55, %dma_wait3A] : memref<2x10000x64xf32, #tpu.memory_space<hbm>> -> memref<1x624x64xf32, #tpu.memory_space<hbm>>
      %dma_wait3A_66 = tpu.memref_squeeze %dma_wait3A_65 : memref<1x624x64xf32, #tpu.memory_space<hbm>> -> memref<624x64xf32, #tpu.memory_space<hbm>>
      %dma_wait3A_67 = arith.constant 0 : i32
      %dma_wait3A_68 = tpu.memref_slice %arg14[%mul3A_53, %dma_wait3A_67] : memref<10000x64xf32, #tpu.memory_space<vmem_shared>> -> memref<624x64xf32, #tpu.memory_space<vmem_shared>>
      tpu.wait_dma2 semaphore(%run_scoped3A : memref<!tpu.dma_semaphore, #tpu.memory_space<semaphore_mem>>) src(%dma_wait3A_68 : memref<624x64xf32, #tpu.memory_space<vmem_shared>>) dst(%dma_wait3A_66 : memref<624x64xf32, #tpu.memory_space<hbm>>)
      tpu.yield
    }) : () -> ()
    %eq3A_56 = arith.constant 15 : i32
    %eq3A_57 = arith.cmpi eq, %arg1, %eq3A_56 : i32
    %convert_element_type3A_58 = arith.extui %eq3A_57 : i1 to i32
    %cond3A_59 = arith.constant 0 : i32
    %cond3A_60 = arith.cmpi ne, %convert_element_type3A_58, %cond3A_59 : i32
    scf.if %cond3A_60 {
      "tpu.region"() ({
        %run_scoped3A = tpu.sem_alloc : memref<!tpu.dma_semaphore, #tpu.memory_space<semaphore_mem>>
        %dma_start3A = arith.constant 9984 : i32
        %dma_start3A_61 = arith.constant 0 : i32
        %dma_start3A_62 = tpu.memref_slice %arg7[%arg0, %dma_start3A, %dma_start3A_61] : memref<2x10000x64xf32, #tpu.memory_space<hbm>> -> memref<1x16x64xf32, #tpu.memory_space<hbm>>
        %dma_start3A_63 = tpu.memref_squeeze %dma_start3A_62 : memref<1x16x64xf32, #tpu.memory_space<hbm>> -> memref<16x64xf32, #tpu.memory_space<hbm>>
        %dma_start3A_64 = arith.constant 9984 : i32
        %dma_start3A_65 = arith.constant 0 : i32
        %dma_start3A_66 = tpu.memref_slice %arg14[%dma_start3A_64, %dma_start3A_65] : memref<10000x64xf32, #tpu.memory_space<vmem_shared>> -> memref<16x64xf32, #tpu.memory_space<vmem_shared>>
        tpu.enqueue_dma source(%dma_start3A_66 : memref<16x64xf32, #tpu.memory_space<vmem_shared>>) target(%dma_start3A_63 : memref<16x64xf32, #tpu.memory_space<hbm>>) target_semaphore(%run_scoped3A : memref<!tpu.dma_semaphore, #tpu.memory_space<semaphore_mem>>)
        %dma_wait3A = arith.constant 9984 : i32
        %dma_wait3A_67 = arith.constant 0 : i32
        %dma_wait3A_68 = tpu.memref_slice %arg7[%arg0, %dma_wait3A, %dma_wait3A_67] : memref<2x10000x64xf32, #tpu.memory_space<hbm>> -> memref<1x16x64xf32, #tpu.memory_space<hbm>>
        %dma_wait3A_69 = tpu.memref_squeeze %dma_wait3A_68 : memref<1x16x64xf32, #tpu.memory_space<hbm>> -> memref<16x64xf32, #tpu.memory_space<hbm>>
        %dma_wait3A_70 = arith.constant 9984 : i32
        %dma_wait3A_71 = arith.constant 0 : i32
        %dma_wait3A_72 = tpu.memref_slice %arg14[%dma_wait3A_70, %dma_wait3A_71] : memref<10000x64xf32, #tpu.memory_space<vmem_shared>> -> memref<16x64xf32, #tpu.memory_space<vmem_shared>>
        tpu.wait_dma2 semaphore(%run_scoped3A : memref<!tpu.dma_semaphore, #tpu.memory_space<semaphore_mem>>) src(%dma_wait3A_72 : memref<16x64xf32, #tpu.memory_space<vmem_shared>>) dst(%dma_wait3A_69 : memref<16x64xf32, #tpu.memory_space<hbm>>)
        tpu.yield
      }) : () -> ()
    } else {
    }
    return
  }
}

module attributes {stable_mosaic.version = 14 : i64} {
  func.func @_matmul_body(%arg0: i32, %arg1: memref<10000x128xf32, #tpu.memory_space<vmem>>, %arg2: memref<1x128x64xf32, #tpu.memory_space<vmem>>, %arg3: memref<10000x64xf32, #tpu.memory_space<vmem>>) attributes {dimension_semantics = [#tpu.dimension_semantics<arbitrary>], iteration_bounds = array<i64: 2>, scalar_prefetch = 0 : i64, scratch_operands = 0 : i64, tpu.core_type = #tpu.core_type<tc>, window_params = [{pipeline_mode = #tpu.pipeline_mode<synchronous>, transform_indices = @transform_0, window_bounds = array<i64: 10000, 128>}, {transform_indices = @transform_1, window_bounds = array<i64: 1, 128, 64>}, {transform_indices = @transform_2, window_bounds = array<i64: 10000, 64>}]} {
    %get3A = arith.constant 0 : index
    %get3A_0 = arith.constant 0 : index
    %get3A_1 = vector.load %arg1[%get3A, %get3A_0] : memref<10000x128xf32, #tpu.memory_space<vmem>>, vector<10000x128xf32>
    %get3A_2 = arith.constant 0 : index
    %get3A_3 = arith.constant 0 : index
    %get3A_4 = arith.constant 0 : index
    %get3A_5 = vector.load %arg2[%get3A_2, %get3A_3, %get3A_4] : memref<1x128x64xf32, #tpu.memory_space<vmem>>, vector<1x128x64xf32>
    %get3A_6 = vector.shape_cast %get3A_5 : vector<1x128x64xf32> to vector<128x64xf32>
    %dot_general3A = arith.constant dense<0.000000e+00> : vector<10000x64xf32>
    %dot_general3A_7 = tpu.matmul %get3A_1, %get3A_6, %dot_general3A {dimension_numbers = #tpu.dot_dimension_numbers<[1], [0], [0], [1], [0, 0, 1, 1], [], []>, precision = #tpu.contract_precision<fp32>, transpose_lhs_hint = false} : vector<10000x128xf32>, vector<128x64xf32>, vector<10000x64xf32> -> vector<10000x64xf32>
    %swap3A = arith.constant 0 : index
    %swap3A_8 = arith.constant 0 : index
    %swap3A_9 = vector.load %arg3[%swap3A, %swap3A_8] : memref<10000x64xf32, #tpu.memory_space<vmem>>, vector<10000x64xf32>
    tpu.vector_store %arg3[%swap3A, %swap3A_8], %dot_general3A_7 {strides = array<i32>} : memref<10000x64xf32, #tpu.memory_space<vmem>>, vector<10000x64xf32>,
    return
  }
  func.func @transform_0(%arg0: i32) -> (i32, i32) {
    %c0_i32 = arith.constant 0 : i32
    %c0_i32_0 = arith.constant 0 : i32
    %c0_i32_1 = arith.constant 0 : i32
    return %c0_i32, %c0_i32_0 : i32, i32
  }
  func.func @transform_1(%arg0: i32) -> (i32, i32, i32) {
    %c0_i32 = arith.constant 0 : i32
    %c0_i32_0 = arith.constant 0 : i32
    %c0_i32_1 = arith.constant 0 : i32
    return %arg0, %c0_i32, %c0_i32_0 : i32, i32, i32
  }
  func.func @transform_2(%arg0: i32) -> (i32, i32) {
    %c0_i32 = arith.constant 0 : i32
    %c0_i32_0 = arith.constant 0 : i32
    return %arg0, %c0_i32 : i32, i32
  }
}

</mosaic_0001>

<sc_bundles>
// kernel: kernel.4.cloned.1.call-start
scs
__scs_entry_jumppad:
0x0: {  	(pc) =	sbr.rel $0x88, $3  }
0x1: {  	(tag) =	ssettag $0x0;
	lr =	simm.s32 $0x1  }
0x2: {  	[smem:$0x3F9C] =	sst lr;
	_ =	strace $0xD0000000  }
0x3: {  	_ = 	snop  }
0x4: {  	_ = 	snop  }
0x5: {  	_ = 	snop  }
0x6: {  	_ = 	snop  }
0x7: {  	_ = 	snop  }
__scs_overlays_trampoline_lowered:
0x8: {  	[smem:$0x3FAB] =	sst s0  }
0x9: {  	[smem:$0x3FAC] =	sst s1  }
0xa: {  	[smem:$0x3FAD] =	sst s2  }
0xb: {  	[smem:$0x3FAE] =	sst s3  }
0xc: {  	[smem:$0x3FAF] =	sst s4  }
0xd: {  	[smem:$0x3FB0] =	sst s5  }
0xe: {  	[smem:$0x3FB1] =	sst s6  }
0xf: {  	[smem:$0x3FB2] =	sst s7  }
0x10: {  	[smem:$0x3FB3] =	sst s8  }
0x11: {  	[smem:$0x3FB4] =	sst s9;
	s0 =	simm.s32 @!p0 $0x0  }
0x12: {  	s1 =	sld [smem:$0x3F9A];
	s0 =	simm.s32 @p0 $0x1  }
0x13: {  	[smem:$0x3FB5] =	sst s0;
	s0 =	simm.s32 @!p1 $0x0  }
0x14: {  	s2 =	sld [smem:$0x3F99];
	s0 =	simm.s32 @p1 $0x1  }
0x15: {  	[smem:$0x3FB6] =	sst s0;
	s0 =	simm.s32 @!p2 $0x0  }
0x16: {  	s3 =	sld [smem:$0x3FDB];
	s0 =	simm.s32 @p2 $0x1  }
0x17: {  	s4 =	simm.s32 $0x1BF5;
	[smem:$0x3FB8] =	sst s0  }
0x18: {  	s0 =	sld [smem:$0x3F9B];
	_ =	swait.ge [sflag:s4], $0x0  }
0x19: {  	s7 =	sld [smem:$0x3F9C]  }
0x1a: {  	s8 =	sadd.s32 $0xFFFFE003, lr  }
0x1b: {  	s9 =	sadd.s32 $0xFFFFFEF7, lr;
	s5 =	simm.s32 $0xFFFFFFFF;
	p2 =	slt.u32 s8, $0xFFFFF086  }
0x1c: {  	p1 =	slt.u32 s9, $0xF7A;
	s5 =	simm.s32 @!p2 $0x0  }
0x1d: {  	s5 =	simm.s32 @p1 $0x1;
	p0 =	seq.s32 s7, s2  }
0x1e: {  	s7 =	smul.u32 @!p0 $0xF7A, s2;
	p2 =	seq.s32 @!p0 s5, $0x0  }
0x1f: {  	s9 =	smul.u32 $0xF7A, s1;
	s8 =	simm.s32 @!p0 $0x1BF5;
	p2 =	por !p2, p0  }
0x20: {  	[sflag:s8] =	ssyncset.s32 @!p0 $0xFFFFF086;
	s6 =	sadd.s32 @!p0 s3, s7;
	s7 =	simm.s32 @!p0 $0x108  }
0x21: {  	s3 =	sadd.s32 s3, s9;
	s6 =	sadd.s32 @!p0 $0x88, s6;
	s7 =	simm.s32 @p2 $0x1082  }
0x22: {  	[simem:s7], [sflag:s8] =	dma.local @!p0 [hbm:s6], $0xF7A  }
0x23: {  	s9 =	sor.u32 $0xD0000000, s2;
	s6 =	simm.s32 $0x108;
	_ =	swait.ge @!p0 [sflag:s8], $0x0  }
0x24: {  	s3 =	sadd.s32 $0x88, s3;
	s6 =	simm.s32 @!p1 $0x1082;
	[sflag:s4] =	ssyncset.s32 $0xFFFFF086  }
0x25: {  	[simem:s6], [sflag:s4] =	dma.local [hbm:s3], $0xF7A  }
0x26: {  	[smem:$0x3F9C] =	sst s1;
	(tag) =	ssettag s2;
	_ =	strace s9  }
0x27: {  	s1 =	sld [smem:$0x3FAC]  }
0x28: {  	s2 =	sld [smem:$0x3FAD]  }
0x29: {  	s4 =	sld [smem:$0x3FAF]  }
0x2a: {  	p0 =	seq.s32 s5, $0x0;
	s5 =	sld [smem:$0x3FB0]  }
0x2b: {  	s6 =	sld [smem:$0x3FB1]  }
0x2c: {  	s7 =	sld [smem:$0x3FB2]  }
0x2d: {  	s3 =	simm.s32 $0x108;
	s8 =	sld [smem:$0x3FB3]  }
0x2e: {  	s3 =	simm.s32 @!p0 $0x1082;
	s9 =	sld [smem:$0x3FB4]  }
0x2f: {  	lr =	sadd.s32 s0, s3;
	s0 =	sld [smem:$0x3FAB]  }
0x30: {  	s3 =	sld [smem:$0x3FAE]  }
0x31: {  	[smem:$0x3FB7] =	sst s10  }
0x32: {  	s10 =	sld [smem:$0x3FB5];
	_ =	sdelay $0x3  }
0x33: {  	p0 =	seq.s32 s10, $0x1;
	s10 =	sld [smem:$0x3FB7];
	_ =	sdelay $0x3  }
0x34: {  	[smem:$0x3FB7] =	sst s10  }
0x35: {  	s10 =	sld [smem:$0x3FB6];
	_ =	sdelay $0x3  }
0x36: {  	p1 =	seq.s32 s10, $0x1;
	s10 =	sld [smem:$0x3FB7];
	_ =	sdelay $0x3  }
0x37: {  	[smem:$0x3FB7] =	sst s10  }
0x38: {  	s10 =	sld [smem:$0x3FB8]  }
0x39: {  	_ = 	snop;
	(pc) =	sbr.ind lr, $3  }
0x3a: {  	_ = 	snop  }
0x3b: {  	_ = 	snop  }
0x3c: {  	p2 =	seq.s32 s10, $0x1;
	s10 =	sld [smem:$0x3FB7]  }
0x3d: {  	_ =	shalt  }
0x3e: {  	_ =	shalt  }
0x3f: {  	_ =	shalt  }
0x40: {  	_ =	shalt  }
0x41: {  	_ =	shalt  }
0x42: {  	_ =	shalt  }
0x43: {  	_ =	shalt  }
0x44: {  	_ =	shalt  }
0x45: {  	_ =	shalt  }
0x46: {  	_ =	shalt  }
0x47: {  	_ =	shalt  }
0x48: {  	_ =	shalt  }
0x49: {  	_ =	shalt  }
0x4a: {  	_ =	shalt  }
0x4b: {  	_ =	shalt  }
0x4c: {  	_ =	shalt  }
0x4d: {  	_ =	shalt  }
0x4e: {  	_ =	shalt  }
0x4f: {  	_ =	shalt  }
0x50: {  	_ =	shalt  }
0x51: {  	_ =	shalt  }
0x52: {  	_ =	shalt  }
0x53: {  	_ =	shalt  }
0x54: {  	_ =	shalt  }
0x55: {  	_ =	shalt  }
0x56: {  	_ =	shalt  }
0x57: {  	_ =	shalt  }
0x58: {  	_ =	shalt  }
0x59: {  	_ =	shalt  }
0x5a: {  	_ =	shalt  }
0x5b: {  	_ =	shalt  }
0x5c: {  	_ =	shalt  }
0x5d: {  	_ =	shalt  }
0x5e: {  	_ =	shalt  }
0x5f: {  	_ =	shalt  }
0x60: {  	_ =	shalt  }
0x61: {  	_ =	shalt  }
0x62: {  	_ =	shalt  }
0x63: {  	_ =	shalt  }
0x64: {  	_ =	shalt  }
0x65: {  	_ =	shalt  }
0x66: {  	_ =	shalt  }
0x67: {  	_ =	shalt  }
0x68: {  	_ =	shalt  }
0x69: {  	_ =	shalt  }
0x6a: {  	_ =	shalt  }
0x6b: {  	_ =	shalt  }
0x6c: {  	_ =	shalt  }
0x6d: {  	_ =	shalt  }
0x6e: {  	_ =	shalt  }
0x6f: {  	_ =	shalt  }
0x70: {  	_ =	shalt  }
0x71: {  	_ =	shalt  }
0x72: {  	_ =	shalt  }
0x73: {  	_ =	shalt  }
0x74: {  	_ =	shalt  }
0x75: {  	_ =	shalt  }
0x76: {  	_ =	shalt  }
0x77: {  	_ =	shalt  }
0x78: {  	_ =	shalt  }
0x79: {  	_ =	shalt  }
0x7a: {  	_ =	shalt  }
0x7b: {  	_ =	shalt  }
0x7c: {  	_ =	shalt  }
0x7d: {  	_ =	shalt  }
0x7e: {  	_ =	shalt  }
0x7f: {  	_ =	shalt  }
0x80: {  	_ =	shalt  }
0x81: {  	_ =	shalt  }
0x82: {  	_ =	shalt  }
0x83: {  	_ =	shalt  }
0x84: {  	_ =	shalt  }
0x85: {  	_ =	shalt  }
0x86: {  	_ =	shalt  }
0x87: {  	_ =	shalt  }
.Lfunc_end0:
.L_simem_size_0:
called_computation_lowered:
.L_overlay_start_0:
0x88: {  	s2 =	sld [smem:$0x3FD9]  }
0x89: {  	s3 =	sld [smem:$0x3FFE];
	_ =	sdelay $0x1  }
0x8a: {  	s1 =	srdreg.scid  }
0x8b: {  	s0 =	sand.u32 $0x1, s1  }
0x8c: {  	s17 =	sshll.u32 s0, $0xA;
	s2 =	sadd.s32 s3, s2  }
0x8d: {  	s2 =	sadd.s32 s2, s17  }
0x8e: {  	[smem:$0x3FC3] =	sst s2  }
0x8f: {  	_ = 	snop  }
0x90: {  	s2 =	sld [smem:$0x3FC7]  }
0x91: {  	s18 =	sld [smem:$0x3FC5]  }
0x92: {  	s4 =	sld [smem:$0x3FD0];
	(tm) =	ssettm $0x1  }
0x93: {  	s5 =	sld [smem:$0x3FFB];
	_ =	sdelay $0x3  }
0x94: {  	_ =	strace s5  }
0x95: {  	s5 =	sld [smem:$0x3FFC];
	_ =	sdelay $0x3  }
0x96: {  	_ =	strace s5  }
0x97: {  	s5 =	sld [smem:$0x3FFD];
	_ =	sdelay $0x3  }
0x98: {  	_ =	strace s5  }
0x99: {  	_ =	strace $0x8FFFFFFF  }
0x9a: {  	s19 =	sld [smem:$0x3FDB];
	_ =	sdelay $0x1  }
0x9b: {  	s6 =	simm.s32 $_scs_section_size  }
0x9c: {  	s7 =	simm.s32 $_size__tile_overlayer_lowered;
	s8 =	simm.s32 $_tile_overlayer_lowered  }
0x9d: {  	s22 =	simm.s32 $0x1BFF;
	s21 =	sshll.u32 s8, $0x1;
	s5 =	sadd.s32 s6, s19  }
0x9e: {  	s9 =	simm.s32 $0x0;
	s20 =	sshll.u32 s7, $0x1;
	s7 =	sadd.s32 s21, s5  }
0x9f: {  	[timem:s9], [sflag:s22] =	dma.local [hbm:s7], s20  }
0xa0: {  	_ =	swait.ge [sflag:s22], s20  }
0xa1: {  	s6 =	ssub.s32 $0x0, s20;
	[sflag:s22] =	ssyncset.done $0x0  }
0xa2: {  	[sflag:s22] =	ssyncadd.s32 s6;
	_ =	sdelay $0x1  }
0xa3: {  	s23 =	simm.s32 $0x1B8B  }
0xa4: {  	_ =	swait.ge [sflag:s23], $0x1  }
0xa5: {  	[sflag:s23] =	ssyncset.done $0x0  }
0xa6: {  	s25 =	simm.s32 $0x1B8E;
	s24 =	sld [smem:$0x3FFE];
	[sflag:s23] =	ssyncadd.s32 $0xFFFFFFFF  }
0xa7: {  	s26 =	simm.s32 $execute0_lowered;
	[smem:$0x3FD2] =	sst s25  }
0xa8: {  	s7 =	sshll.u32 s26, $0x1;
	_ =	strace $0x80000046;
	[dreg:$0x1] =	wrdreg $0xFFFFFFFF  }
0xa9: {  	s28 =	simm.s32 $_size_execute0_lowered;
	s5 =	sadd.s32 s5, s7;
	[dreg:$0x0] =	wrdreg $0x0  }
0xaa: {  	s7 =	sshll.u32 s28, $0x1;
	[dreg:$0x2] =	wrdreg s5  }
0xab: {  	[dreg:$0x3] =	wrdreg s7  }
0xac: {  	[dreg:$0x4] =	wrdreg $0xC0  }
0xad: {  	_ =	task [dreg:s9], $0x5FFFF  }
0xae: {  	[dreg:$0x1] =	wrdreg $0xFFFFFFFF  }
0xaf: {  	[dreg:$0x0] =	wrdreg $0x60  }
0xb0: {  	[dreg:$0x2] =	wrdreg s4  }
0xb1: {  	[dreg:$0x3] =	wrdreg s24  }
0xb2: {  	[dreg:$0x4] =	wrdreg s2  }
0xb3: {  	[dreg:$0x5] =	wrdreg s18  }
0xb4: {  	[dreg:$0x6] =	wrdreg $0x118A00  }
0xb5: {  	[dreg:$0x7] =	wrdreg $0x9  }
0xb6: {  	_ =	task.clear_ibuf [dreg:s9], $0x8FFFF;
	_ =	strace $0x90000046  }
0xb7: {  	s29 =	simm.s32 $0x9;
	_ =	strace $0x80000048  }
0xb8: {  	_ =	swait.ge [sflag:s29], $0x1  }
0xb9: {  	[sflag:s29] =	ssyncadd.s32 $0xFFFFFFFF  }
0xba: {  	_ =	strace $0x90000048  }
0xbb: {  	_ =	sfence  }
0xbc: {  	s30 =	sld [smem:$0x0];
	_ =	sdelay $0x2  }
0xbd: {  	s31 =	sshll.u32 s1, $0xD;
	s1 =	sshrl.u32 s1, $0x2  }
0xbe: {  	s3 =	sand.u32 $0x4000, s31;
	s1 =	sadd.s32 s1, s30  }
0xbf: {  	s0 =	sor.u32 s3, s0;
	s1 =	sshll.u32 s1, $0x11  }
0xc0: {  	s0 =	sor.u32 s1, s0  }
0xc1: {  	s0 =	sadd.s32 $0x8F2B, s0  }
0xc2: {  	[sflag:s0] =	ssyncadd.remote.s32 $0x1  }
0xc3: {  	_ =	sfence.sel $0xFFFF  }
0xc4: {  	[dreg:$0x0] =	wrdreg $0xFFFFFFFF;
	(pc) =	sbr.abs _section_cstart, $3  }
0xc5: {  	[dreg:$0x1] =	wrdreg $0xFFFFFFFF  }
0xc6: {  	_ =	task.clear_ibuf [dreg:s9], $0x2FFFF;
	_ =	strace $0x9FFFFFFF  }
0xc7: {  	(tm) =	ssettm $0x7FFFFFFF  }
tec
execute0_lowered:
.L_overlay_start_1:
0x0: {  	(tag) =	ssettag $0x1  }
0x1: {  	s0 =	rddreg [dreg:$0x0]  }
0x2: {  	s1 =	rddreg [dreg:$0x1]  }
0x3: {  	s7 =	rddreg [dreg:$0x2]  }
0x4: {  	s8 =	rddreg [dreg:$0x3]  }
0x5: {  	s2 =	srdreg.scid;
	s3 =	rddreg [dreg:$0x4];
	s4 =	simm.s32 $0x0  }
0x6: {  	s19 =	simm.s32 $0x1;
	s21 =	simm.s32 $0x9C40;
	s22 =	simm.s32 $0x11860  }
0x7: {  	s23 =	simm.s32 $0xFE60;
	s24 =	simm.s32 $0x50;
	s25 =	simm.s32 $0xEA60  }
0x8: {  	s26 =	simm.s32 $0x0;
	s11 =	sand.u32 $0x1, s2;
	s2 =	stileid.u32  }
0x9: {  	[smem:$0x7FF] =	sst s4;
	s16 =	sadd.s32 $0x1D800, s1;
	s9 =	smul.u32 $0x9C4, s2  }
0xa: {  	s5 =	sshll.u32 s11, $0x4;
	_ =	strace $0x80000047;
	s12 =	smul.u32 $0x27000, s2  }
0xb: {  	s6 =	ssub.s32 $0x2, s11;
	s28 =	sshll.u32 s11, $0x3;
	s15 =	smul.u32 $0x9C00, s2  }
0xc: {  	s17 =	smul.u32 $0x9C400, s11;
	p0 =	sne.s32 s2, $0xF;
	s5 =	sor.u32 s2, s5  }
0xd: {  	s10 =	sshrl.u32 s6, $0x1;
	s8 =	sadd.s32 s8, s28;
	s5 =	smul.u32 $0x9C4, s5  }
0xe: {  	s18 =	ssub.s32 s6, s10;
	s6 =	sadd.s32 s1, s9;
	s29 =	sshrl.u32 s12, $0x2  }
0xf: {  	s7 =	sadd.s32 s7, s9;
	s9 =	sadd.s32 s15, s3;
	s31 =	sadd.s32 s15, s17  }
0x10: {  	s17 =	sshrl.u32 s17, $0x3;
	s15 =	sadd.s32 $0x9C000, s3;
	s30 =	sadd.s32 s29, s3  }
0x11: {  	s17 =	sadd.s32 s16, s17;
	s18 =	smax.u32 s18, $0x1;
	s5 =	sadd.s32 s5, s1  }
0x12: {  	s10 =	sadd.s32 $0x1A00, s30;
	s11 =	sadd.s32 $0x3400, s30;
	s12 =	sadd.s32 $0x4E00, s30  }
0x13: {  	s13 =	sadd.s32 $0x6800, s30;
	s14 =	sadd.s32 $0x8200, s30;
	s1 =	sshrl.u32 s31, $0x3  }
0x14: {  	s17 =	sadd.s32 $0x13800, s17;
	s5 =	sadd.s32 $0x9E00, s5;
	s16 =	sadd.s32 s16, s1  }
.LBB2_1:
0x15: {  	[tilespmem:s4], [sflag:$0x1] =	stream.linear.gather [hbm4b:s5+s4], $0x4E20, $0x38;
	[tilespmem:$0x1B4E0] =	vst v63  }
0x16: {  	_ =	swait.ge [sflag:s19], $0x4E20  }
0x17: {  	[sflag:s19] =	ssyncset.done $0x0  }
0x18: {  	s1 =	simm.s32 $0x4E20;
	[sflag:s19] =	ssyncadd.s32 $0xFFFFB1E0  }
0x19: {  	[tilespmem:s1], [sflag:$0x1] =	stream.linear.gather [hbm4b:s6+s4], $0x4E20, $0x38;
	[tilespmem:$0x1B4E0] =	vst v63  }
0x1a: {  	_ =	swait.ge [sflag:s19], $0x4E20  }
0x1b: {  	[sflag:s19] =	ssyncset.done $0x0  }
0x1c: {  	[sflag:s19] =	ssyncadd.s32 $0xFFFFB1E0  }
0x1d: {  	[tilespmem:s21], [sflag:$0x1] =	stream.linear.gather [hbm4b:s7+s4], $0x4E20, $0x38;
	[tilespmem:$0x1B4E0] =	vst v63  }
0x1e: {  	_ =	swait.ge [sflag:s19], $0x4E20  }
0x1f: {  	[sflag:s19] =	ssyncset.done $0x0  }
0x20: {  	[sflag:s19] =	ssyncadd.s32 $0xFFFFB1E0  }
0x21: {  	[tilespmem:s22], [sflag:$0x1] =	stream.linear.gather [hbm4b:s8+s4], $0x40, $0x38;
	[tilespmem:$0x1B4E0] =	vst v63  }
0x22: {  	_ =	swait.ge [sflag:s19], $0x40  }
0x23: {  	[sflag:s19] =	ssyncset.done $0x0  }
0x24: {  	[sflag:s19] =	ssyncadd.s32 $0xFFFFFFC0  }
0x25: {  	v3 =	vld [tilespmem:$0x11890]  }
0x26: {  	v2 =	vld [tilespmem:$0x11880]  }
0x27: {  	v0 =	vld [tilespmem:$0x11860]  }
0x28: {  	v1 =	vld [tilespmem:$0x11870]  }
0x29: {  	s28 =	simm.s32 $0x100;
	s1 =	simm.s32 $0x0  }
.LBB2_2:
0x2a: {  	p1 =	sne.s32 s28, $0x6700;
	[tilespmem:s1+$0xFE90] =	vst v3;
	s29 =	smov.u32 s28;
	s28 =	sadd.s32 $0x100, s28  }
.Ltmp0:
0x2b: {  	[tilespmem:s1+$0xFE80] =	vst v2;
	(pc) =	sbr.rel @p1 .LBB2_2-.Ltmp0, $3  }
0x2c: {  	[tilespmem:s1+$0xFE60] =	vst v0  }
0x2d: {  	[tilespmem:s1+$0xFE70] =	vst v1;
	_ =	sdelay $0x1  }
0x2e: {  	s1 =	sshra.s32 s29, $0x2  }
0x2f: {  	[tilespmem:s1+$0xFE90] =	vst v3  }
0x30: {  	[tilespmem:s1+$0xFE80] =	vst v2  }
0x31: {  	[tilespmem:s1+$0xFE60] =	vst v0  }
0x32: {  	[tilespmem:s1+$0xFE70] =	vst v1  }
0x33: {  	[spmem:s9] =	stream.linear.scatter [tilespmem:s23], [sflag:$0x1], $0x1A00, $0x38;
	[tilespmem:$0x1B4E0] =	vst v63  }
0x34: {  	_ =	swait.ge [sflag:s19], $0x1A00  }
0x35: {  	[sflag:s19] =	ssyncset.done $0x0  }
0x36: {  	[sflag:s19] =	ssyncadd.s32 $0xFFFFE600  }
0x37: {  	[spmem:s10] =	stream.linear.scatter [tilespmem:s23], [sflag:$0x1], $0x1A00, $0x38;
	[tilespmem:$0x1B4E0] =	vst v63  }
0x38: {  	_ =	swait.ge [sflag:s19], $0x1A00  }
0x39: {  	[sflag:s19] =	ssyncset.done $0x0  }
0x3a: {  	[sflag:s19] =	ssyncadd.s32 $0xFFFFE600  }
0x3b: {  	[spmem:s11] =	stream.linear.scatter [tilespmem:s23], [sflag:$0x1], $0x1A00, $0x38;
	[tilespmem:$0x1B4E0] =	vst v63  }
0x3c: {  	_ =	swait.ge [sflag:s19], $0x1A00  }
0x3d: {  	[sflag:s19] =	ssyncset.done $0x0  }
0x3e: {  	[sflag:s19] =	ssyncadd.s32 $0xFFFFE600  }
0x3f: {  	[spmem:s12] =	stream.linear.scatter [tilespmem:s23], [sflag:$0x1], $0x1A00, $0x38;
	[tilespmem:$0x1B4E0] =	vst v63  }
0x40: {  	_ =	swait.ge [sflag:s19], $0x1A00  }
0x41: {  	[sflag:s19] =	ssyncset.done $0x0  }
0x42: {  	[sflag:s19] =	ssyncadd.s32 $0xFFFFE600  }
0x43: {  	[spmem:s13] =	stream.linear.scatter [tilespmem:s23], [sflag:$0x1], $0x1A00, $0x38;
	[tilespmem:$0x1B4E0] =	vst v63  }
0x44: {  	_ =	swait.ge [sflag:s19], $0x1A00  }
0x45: {  	[sflag:s19] =	ssyncset.done $0x0  }
0x46: {  	[sflag:s19] =	ssyncadd.s32 $0xFFFFE600  }
0x47: {  	[spmem:s14] =	stream.linear.scatter [tilespmem:s23], [sflag:$0x1], $0x1A00, $0x38;
	[tilespmem:$0x1B4E0] =	vst v63  }
0x48: {  	_ =	swait.ge [sflag:s19], $0x1A00  }
0x49: {  	[sflag:s19] =	ssyncset.done $0x0  }
0x4a: {  	s1 =	simm.s32 @!p0 $0xFE60;
	[sflag:s19] =	ssyncadd.s32 $0xFFFFE600  }
0x4b: {  	[spmem:s15] =	stream.linear.scatter @!p0 [tilespmem:s1], [sflag:$0x1], $0x400, $0x38;
	[tilespmem:$0x1B4E0] =	vst v63  }
0x4c: {  	s1 =	simm.s32 @!p0 $0x1  }
0x4d: {  	_ =	swait.ge @!p0 [sflag:s1], $0x400  }
0x4e: {  	[sflag:s1] =	ssyncset.done @!p0 $0x0  }
0x4f: {  	[sflag:s1] =	ssyncadd.s32 @!p0 $0xFFFFFC00  }
0x50: {  	s28 =	simm.s32 $0x0;
	s29 =	simm.s32 $0x9C40;
	[bflag:$0x0] =	sbarrier.arrive $0xFFFF  }
.LBB2_4:
0x51: {  	s30 =	smul.u32 $0x50, s28;
	_ =	sdelay $0x1  }
0x52: {  	v0 =	vmov s29;
	[tilespmem:s25], [sflag:$0x1] =	stream.indirect.gather [hbm4b:s0+s24], $0x40, s30, s24, $0xb8;
	[tilespmem:$0x1B4E0] =	vst v63  }
0x53: {  	_ =	swait.ge [sflag:s19], $0x1400  }
0x54: {  	[sflag:s19] =	ssyncset.done $0x0  }
0x55: {  	s31 =	simm.s32 $0xEC60;
	s1 =	simm.s32 $0x0;
	[sflag:s19] =	ssyncadd.s32 $0xFFFFEC00  }
.LBB2_5:
0x56: {  	s20 =	sshra.s32 s1, $0x2  }
0x57: {  	v1 =	vld.idx.msk [tilespmem:v0+s20+$0x0 ss:$0x1], $0xffff;
	_ =	sdelay $0x1  }
0x58: {  	v2 =	vld [tilespmem:s31+$0xFFFFFE00];
	_ =	sdelay $0x2  }
0x59: {  	v3 =	vbroadcast v1, $0x0;
	_ =	sdelay $0x1  }
0x5a: {  	v2 =	vmul.f32 v3, v2;
	_ =	sdelay $0x1  }
0x5b: {  	[tilespmem:s31+$0xFFFFFE00] =	vst v2;
	v2 =	vld [tilespmem:s31+$0xFFFFFE10];
	_ =	sdelay $0x4  }
0x5c: {  	v2 =	vmul.f32 v2, v3;
	_ =	sdelay $0x1  }
0x5d: {  	[tilespmem:s31+$0xFFFFFE10] =	vst v2;
	v2 =	vld [tilespmem:s31+$0xFFFFFE20];
	_ =	sdelay $0x4  }
0x5e: {  	v2 =	vmul.f32 v2, v3;
	_ =	sdelay $0x1  }
0x5f: {  	[tilespmem:s31+$0xFFFFFE20] =	vst v2;
	v2 =	vld [tilespmem:s31+$0xFFFFFE30];
	_ =	sdelay $0x4  }
0x60: {  	v2 =	vmul.f32 v2, v3;
	_ =	sdelay $0x1  }
0x61: {  	[tilespmem:s31+$0xFFFFFE30] =	vst v2;
	v2 =	vld [tilespmem:s31+$0xFFFFFE40];
	_ =	sdelay $0x2  }
0x62: {  	v3 =	vbroadcast v1, $0x1;
	_ =	sdelay $0x1  }
0x63: {  	v2 =	vmul.f32 v2, v3;
	_ =	sdelay $0x1  }
0x64: {  	[tilespmem:s31+$0xFFFFFE40] =	vst v2;
	v2 =	vld [tilespmem:s31+$0xFFFFFE50];
	_ =	sdelay $0x4  }
0x65: {  	v2 =	vmul.f32 v2, v3;
	_ =	sdelay $0x1  }
0x66: {  	[tilespmem:s31+$0xFFFFFE50] =	vst v2;
	v2 =	vld [tilespmem:s31+$0xFFFFFE60];
	_ =	sdelay $0x4  }
0x67: {  	v2 =	vmul.f32 v2, v3;
	_ =	sdelay $0x1  }
0x68: {  	[tilespmem:s31+$0xFFFFFE60] =	vst v2;
	v2 =	vld [tilespmem:s31+$0xFFFFFE70];
	_ =	sdelay $0x4  }
0x69: {  	v2 =	vmul.f32 v2, v3;
	_ =	sdelay $0x1  }
0x6a: {  	[tilespmem:s31+$0xFFFFFE70] =	vst v2;
	v2 =	vld [tilespmem:s31+$0xFFFFFE80];
	_ =	sdelay $0x2  }
0x6b: {  	v3 =	vbroadcast v1, $0x2;
	_ =	sdelay $0x1  }
0x6c: {  	v2 =	vmul.f32 v2, v3;
	_ =	sdelay $0x1  }
0x6d: {  	[tilespmem:s31+$0xFFFFFE80] =	vst v2;
	v2 =	vld [tilespmem:s31+$0xFFFFFE90];
	_ =	sdelay $0x4  }
0x6e: {  	v2 =	vmul.f32 v2, v3;
	_ =	sdelay $0x1  }
0x6f: {  	[tilespmem:s31+$0xFFFFFE90] =	vst v2;
	v2 =	vld [tilespmem:s31+$0xFFFFFEA0];
	_ =	sdelay $0x4  }
0x70: {  	v2 =	vmul.f32 v2, v3;
	_ =	sdelay $0x1  }
0x71: {  	[tilespmem:s31+$0xFFFFFEA0] =	vst v2;
	v2 =	vld [tilespmem:s31+$0xFFFFFEB0];
	_ =	sdelay $0x4  }
0x72: {  	v2 =	vmul.f32 v2, v3;
	_ =	sdelay $0x1  }
0x73: {  	[tilespmem:s31+$0xFFFFFEB0] =	vst v2;
	v2 =	vld [tilespmem:s31+$0xFFFFFEC0];
	_ =	sdelay $0x2  }
0x74: {  	v3 =	vbroadcast v1, $0x3;
	_ =	sdelay $0x1  }
0x75: {  	v2 =	vmul.f32 v2, v3;
	_ =	sdelay $0x1  }
0x76: {  	[tilespmem:s31+$0xFFFFFEC0] =	vst v2;
	v2 =	vld [tilespmem:s31+$0xFFFFFED0];
	_ =	sdelay $0x4  }
0x77: {  	v2 =	vmul.f32 v2, v3;
	_ =	sdelay $0x1  }
0x78: {  	[tilespmem:s31+$0xFFFFFED0] =	vst v2;
	v2 =	vld [tilespmem:s31+$0xFFFFFEE0];
	_ =	sdelay $0x4  }
0x79: {  	v2 =	vmul.f32 v2, v3;
	_ =	sdelay $0x1  }
0x7a: {  	[tilespmem:s31+$0xFFFFFEE0] =	vst v2;
	v2 =	vld [tilespmem:s31+$0xFFFFFEF0];
	_ =	sdelay $0x4  }
0x7b: {  	v2 =	vmul.f32 v2, v3;
	_ =	sdelay $0x1  }
0x7c: {  	[tilespmem:s31+$0xFFFFFEF0] =	vst v2;
	v2 =	vld [tilespmem:s31+$0xFFFFFF00];
	_ =	sdelay $0x2  }
0x7d: {  	v3 =	vbroadcast v1, $0x4;
	_ =	sdelay $0x1  }
0x7e: {  	v2 =	vmul.f32 v2, v3;
	_ =	sdelay $0x1  }
0x7f: {  	[tilespmem:s31+$0xFFFFFF00] =	vst v2;
	v2 =	vld [tilespmem:s31+$0xFFFFFF10];
	_ =	sdelay $0x4  }
0x80: {  	v2 =	vmul.f32 v2, v3;
	_ =	sdelay $0x1  }
0x81: {  	[tilespmem:s31+$0xFFFFFF10] =	vst v2;
	v2 =	vld [tilespmem:s31+$0xFFFFFF20];
	_ =	sdelay $0x4  }
0x82: {  	v2 =	vmul.f32 v2, v3;
	_ =	sdelay $0x1  }
0x83: {  	[tilespmem:s31+$0xFFFFFF20] =	vst v2;
	v2 =	vld [tilespmem:s31+$0xFFFFFF30];
	_ =	sdelay $0x4  }
0x84: {  	v2 =	vmul.f32 v2, v3;
	_ =	sdelay $0x1  }
0x85: {  	[tilespmem:s31+$0xFFFFFF30] =	vst v2;
	v2 =	vld [tilespmem:s31+$0xFFFFFF40];
	_ =	sdelay $0x2  }
0x86: {  	v3 =	vbroadcast v1, $0x5;
	_ =	sdelay $0x1  }
0x87: {  	v2 =	vmul.f32 v2, v3;
	_ =	sdelay $0x1  }
0x88: {  	[tilespmem:s31+$0xFFFFFF40] =	vst v2;
	v2 =	vld [tilespmem:s31+$0xFFFFFF50];
	_ =	sdelay $0x4  }
0x89: {  	v2 =	vmul.f32 v2, v3;
	_ =	sdelay $0x1  }
0x8a: {  	[tilespmem:s31+$0xFFFFFF50] =	vst v2;
	v2 =	vld [tilespmem:s31+$0xFFFFFF60];
	_ =	sdelay $0x4  }
0x8b: {  	v2 =	vmul.f32 v2, v3;
	_ =	sdelay $0x1  }
0x8c: {  	[tilespmem:s31+$0xFFFFFF60] =	vst v2;
	v2 =	vld [tilespmem:s31+$0xFFFFFF70];
	_ =	sdelay $0x4  }
0x8d: {  	v2 =	vmul.f32 v2, v3;
	_ =	sdelay $0x1  }
0x8e: {  	[tilespmem:s31+$0xFFFFFF70] =	vst v2;
	v2 =	vld [tilespmem:s31+$0xFFFFFF80];
	_ =	sdelay $0x2  }
0x8f: {  	v3 =	vbroadcast v1, $0x6;
	_ =	sdelay $0x1  }
0x90: {  	v2 =	vmul.f32 v2, v3;
	_ =	sdelay $0x1  }
0x91: {  	[tilespmem:s31+$0xFFFFFF80] =	vst v2;
	v2 =	vld [tilespmem:s31+$0xFFFFFF90];
	_ =	sdelay $0x4  }
0x92: {  	v2 =	vmul.f32 v2, v3;
	_ =	sdelay $0x1  }
0x93: {  	[tilespmem:s31+$0xFFFFFF90] =	vst v2;
	v2 =	vld [tilespmem:s31+$0xFFFFFFA0];
	_ =	sdelay $0x4  }
0x94: {  	v2 =	vmul.f32 v2, v3;
	_ =	sdelay $0x1  }
0x95: {  	[tilespmem:s31+$0xFFFFFFA0] =	vst v2;
	v2 =	vld [tilespmem:s31+$0xFFFFFFB0];
	_ =	sdelay $0x4  }
0x96: {  	v2 =	vmul.f32 v2, v3;
	_ =	sdelay $0x1  }
0x97: {  	[tilespmem:s31+$0xFFFFFFB0] =	vst v2;
	v2 =	vld [tilespmem:s31+$0xFFFFFFC0];
	_ =	sdelay $0x2  }
0x98: {  	v3 =	vbroadcast v1, $0x7;
	_ =	sdelay $0x1  }
0x99: {  	v2 =	vmul.f32 v2, v3;
	_ =	sdelay $0x1  }
0x9a: {  	[tilespmem:s31+$0xFFFFFFC0] =	vst v2;
	v2 =	vld [tilespmem:s31+$0xFFFFFFD0];
	_ =	sdelay $0x4  }
0x9b: {  	v2 =	vmul.f32 v2, v3;
	_ =	sdelay $0x1  }
0x9c: {  	[tilespmem:s31+$0xFFFFFFD0] =	vst v2;
	v2 =	vld [tilespmem:s31+$0xFFFFFFE0];
	_ =	sdelay $0x4  }
0x9d: {  	v2 =	vmul.f32 v2, v3;
	_ =	sdelay $0x1  }
0x9e: {  	[tilespmem:s31+$0xFFFFFFE0] =	vst v2;
	v2 =	vld [tilespmem:s31+$0xFFFFFFF0];
	_ =	sdelay $0x4  }
0x9f: {  	v2 =	vmul.f32 v2, v3;
	_ =	sdelay $0x1  }
0xa0: {  	[tilespmem:s31+$0xFFFFFFF0] =	vst v2;
	v2 =	vld [tilespmem:s31+$0x0];
	_ =	sdelay $0x2  }
0xa1: {  	v3 =	vbroadcast v1, $0x8;
	_ =	sdelay $0x1  }
0xa2: {  	v2 =	vmul.f32 v2, v3;
	_ =	sdelay $0x1  }
0xa3: {  	[tilespmem:s31+$0x0] =	vst v2;
	v2 =	vld [tilespmem:s31+$0x10];
	_ =	sdelay $0x4  }
0xa4: {  	v2 =	vmul.f32 v2, v3;
	_ =	sdelay $0x1  }
0xa5: {  	[tilespmem:s31+$0x10] =	vst v2;
	v2 =	vld [tilespmem:s31+$0x20];
	_ =	sdelay $0x4  }
0xa6: {  	v2 =	vmul.f32 v2, v3;
	_ =	sdelay $0x1  }
0xa7: {  	[tilespmem:s31+$0x20] =	vst v2;
	v2 =	vld [tilespmem:s31+$0x30];
	_ =	sdelay $0x4  }
0xa8: {  	v2 =	vmul.f32 v2, v3;
	_ =	sdelay $0x1  }
0xa9: {  	[tilespmem:s31+$0x30] =	vst v2;
	v2 =	vld [tilespmem:s31+$0x40];
	_ =	sdelay $0x2  }
0xaa: {  	v3 =	vbroadcast v1, $0x9;
	_ =	sdelay $0x1  }
0xab: {  	v2 =	vmul.f32 v2, v3;
	_ =	sdelay $0x1  }
0xac: {  	[tilespmem:s31+$0x40] =	vst v2;
	v2 =	vld [tilespmem:s31+$0x50];
	_ =	sdelay $0x4  }
0xad: {  	v2 =	vmul.f32 v2, v3;
	_ =	sdelay $0x1  }
0xae: {  	[tilespmem:s31+$0x50] =	vst v2;
	v2 =	vld [tilespmem:s31+$0x60];
	_ =	sdelay $0x4  }
0xaf: {  	v2 =	vmul.f32 v2, v3;
	_ =	sdelay $0x1  }
0xb0: {  	[tilespmem:s31+$0x60] =	vst v2;
	v2 =	vld [tilespmem:s31+$0x70];
	_ =	sdelay $0x4  }
0xb1: {  	v2 =	vmul.f32 v2, v3;
	_ =	sdelay $0x1  }
0xb2: {  	[tilespmem:s31+$0x70] =	vst v2;
	v2 =	vld [tilespmem:s31+$0x80];
	_ =	sdelay $0x2  }
0xb3: {  	v3 =	vbroadcast v1, $0xA;
	_ =	sdelay $0x1  }
0xb4: {  	v2 =	vmul.f32 v2, v3;
	_ =	sdelay $0x1  }
0xb5: {  	[tilespmem:s31+$0x80] =	vst v2;
	v2 =	vld [tilespmem:s31+$0x90];
	_ =	sdelay $0x4  }
0xb6: {  	v2 =	vmul.f32 v2, v3;
	_ =	sdelay $0x1  }
0xb7: {  	[tilespmem:s31+$0x90] =	vst v2;
	v2 =	vld [tilespmem:s31+$0xA0];
	_ =	sdelay $0x4  }
0xb8: {  	v2 =	vmul.f32 v2, v3;
	_ =	sdelay $0x1  }
0xb9: {  	[tilespmem:s31+$0xA0] =	vst v2;
	v2 =	vld [tilespmem:s31+$0xB0];
	_ =	sdelay $0x4  }
0xba: {  	v2 =	vmul.f32 v2, v3;
	_ =	sdelay $0x1  }
0xbb: {  	[tilespmem:s31+$0xB0] =	vst v2;
	v2 =	vld [tilespmem:s31+$0xC0];
	_ =	sdelay $0x2  }
0xbc: {  	v3 =	vbroadcast v1, $0xB;
	_ =	sdelay $0x1  }
0xbd: {  	v2 =	vmul.f32 v2, v3;
	_ =	sdelay $0x1  }
0xbe: {  	[tilespmem:s31+$0xC0] =	vst v2;
	v2 =	vld [tilespmem:s31+$0xD0];
	_ =	sdelay $0x4  }
0xbf: {  	v2 =	vmul.f32 v2, v3;
	_ =	sdelay $0x1  }
0xc0: {  	[tilespmem:s31+$0xD0] =	vst v2;
	v2 =	vld [tilespmem:s31+$0xE0];
	_ =	sdelay $0x4  }
0xc1: {  	v2 =	vmul.f32 v2, v3;
	_ =	sdelay $0x1  }
0xc2: {  	[tilespmem:s31+$0xE0] =	vst v2;
	v2 =	vld [tilespmem:s31+$0xF0];
	_ =	sdelay $0x4  }
0xc3: {  	v2 =	vmul.f32 v2, v3;
	_ =	sdelay $0x1  }
0xc4: {  	[tilespmem:s31+$0xF0] =	vst v2;
	v2 =	vld [tilespmem:s31+$0x100];
	_ =	sdelay $0x2  }
0xc5: {  	v3 =	vbroadcast v1, $0xC;
	_ =	sdelay $0x1  }
0xc6: {  	v2 =	vmul.f32 v2, v3;
	_ =	sdelay $0x1  }
0xc7: {  	[tilespmem:s31+$0x100] =	vst v2;
	v2 =	vld [tilespmem:s31+$0x110];
	_ =	sdelay $0x4  }
0xc8: {  	v2 =	vmul.f32 v2, v3;
	_ =	sdelay $0x1  }
0xc9: {  	[tilespmem:s31+$0x110] =	vst v2;
	v2 =	vld [tilespmem:s31+$0x120];
	_ =	sdelay $0x4  }
0xca: {  	v2 =	vmul.f32 v2, v3;
	_ =	sdelay $0x1  }
0xcb: {  	[tilespmem:s31+$0x120] =	vst v2;
	v2 =	vld [tilespmem:s31+$0x130];
	_ =	sdelay $0x4  }
0xcc: {  	v2 =	vmul.f32 v2, v3;
	_ =	sdelay $0x1  }
0xcd: {  	[tilespmem:s31+$0x130] =	vst v2;
	v2 =	vld [tilespmem:s31+$0x140];
	_ =	sdelay $0x2  }
0xce: {  	v3 =	vbroadcast v1, $0xD;
	_ =	sdelay $0x1  }
0xcf: {  	v2 =	vmul.f32 v2, v3;
	_ =	sdelay $0x1  }
0xd0: {  	[tilespmem:s31+$0x140] =	vst v2;
	v2 =	vld [tilespmem:s31+$0x150];
	_ =	sdelay $0x4  }
0xd1: {  	v2 =	vmul.f32 v2, v3;
	_ =	sdelay $0x1  }
0xd2: {  	[tilespmem:s31+$0x150] =	vst v2;
	v2 =	vld [tilespmem:s31+$0x160];
	_ =	sdelay $0x4  }
0xd3: {  	v2 =	vmul.f32 v2, v3;
	_ =	sdelay $0x1  }
0xd4: {  	[tilespmem:s31+$0x160] =	vst v2;
	v2 =	vld [tilespmem:s31+$0x170];
	_ =	sdelay $0x4  }
0xd5: {  	v2 =	vmul.f32 v2, v3;
	_ =	sdelay $0x1  }
0xd6: {  	[tilespmem:s31+$0x170] =	vst v2;
	v2 =	vld [tilespmem:s31+$0x180];
	_ =	sdelay $0x2  }
0xd7: {  	v3 =	vbroadcast v1, $0xE;
	_ =	sdelay $0x1  }
0xd8: {  	v2 =	vmul.f32 v2, v3;
	_ =	sdelay $0x1  }
0xd9: {  	[tilespmem:s31+$0x180] =	vst v2;
	v2 =	vld [tilespmem:s31+$0x190];
	_ =	sdelay $0x4  }
0xda: {  	v2 =	vmul.f32 v2, v3;
	_ =	sdelay $0x1  }
0xdb: {  	[tilespmem:s31+$0x190] =	vst v2;
	v2 =	vld [tilespmem:s31+$0x1A0];
	_ =	sdelay $0x4  }
0xdc: {  	v2 =	vmul.f32 v2, v3;
	_ =	sdelay $0x1  }
0xdd: {  	[tilespmem:s31+$0x1A0] =	vst v2;
	v2 =	vld [tilespmem:s31+$0x1B0];
	_ =	sdelay $0x4  }
0xde: {  	v2 =	vmul.f32 v2, v3;
	_ =	sdelay $0x1  }
0xdf: {  	[tilespmem:s31+$0x1B0] =	vst v2;
	v2 =	vld [tilespmem:s31+$0x1C0];
	_ =	sdelay $0x2  }
0xe0: {  	v1 =	vbroadcast v1, $0xF;
	_ =	sdelay $0x1  }
0xe1: {  	v2 =	vmul.f32 v2, v1;
	_ =	sdelay $0x1  }
0xe2: {  	[tilespmem:s31+$0x1C0] =	vst v2;
	v2 =	vld [tilespmem:s31+$0x1D0];
	_ =	sdelay $0x4  }
0xe3: {  	v2 =	vmul.f32 v2, v1;
	_ =	sdelay $0x1  }
0xe4: {  	[tilespmem:s31+$0x1D0] =	vst v2;
	v2 =	vld [tilespmem:s31+$0x1E0];
	_ =	sdelay $0x4  }
0xe5: {  	v2 =	vmul.f32 v2, v1;
	_ =	sdelay $0x1  }
0xe6: {  	[tilespmem:s31+$0x1E0] =	vst v2;
	v2 =	vld [tilespmem:s31+$0x1F0];
	_ =	sdelay $0x1  }
0xe7: {  	p1 =	sne.s32 s1, $0x100  }
.Ltmp1:
0xe8: {  	_ = 	snop;
	(pc) =	sbr.rel @p1 .LBB2_5-.Ltmp1, $3  }
0xe9: {  	_ = 	snop  }
0xea: {  	v1 =	vmul.f32 v2, v1;
	_ =	sdelay $0x1  }
0xeb: {  	s1 =	sadd.s32 $0x40, s1;
	[tilespmem:s31+$0x1F0] =	vst v1;
	s31 =	sadd.s32 $0x400, s31  }
0xec: {  	s28 =	sadd.s32 $0x1, s28  }
0xed: {  	p1 =	sne.s32 s28, $0xFA  }
.Ltmp2:
0xee: {  	s1 =	sadd.s32 $0x4E20, s30;
	(pc) =	sbr.rel @p1 .LBB2_4-.Ltmp2, $4  }
0xef: {  	[spmem:s3] =	stream.indirect.scatter.add.f32 [tilespmem:s25], [sflag:$0x1], $0x40, s1, s24, $0xb8;
	[tilespmem:$0x1B4E0] =	vst v63  }
0xf0: {  	_ =	swait.ge [sflag:s19], $0x1400  }
0xf1: {  	[sflag:s19] =	ssyncset.done $0x0  }
0xf2: {  	s29 =	sadd.s32 $0x50, s29;
	[sflag:s19] =	ssyncadd.s32 $0xFFFFEC00  }
0xf3: {  	s1 =	sshll.u32 s2, $0x6  }
0xf4: {  	[bflag:$0x0] =	sbarrier.arrive $0xFFFF;
	s20 =	sshrl.u32 s9, $0x3;
	s1 =	sor.u32 $0x1C01, s1  }
0xf5: {  	[hbm:s16], [sflag:s1] =	dma.local [spmem:s20], $0x1380  }
0xf6: {  	_ =	swait.ge [sflag:s19], $0x1380  }
0xf7: {  	s26 =	sadd.s32 $0x1, s26;
	[sflag:s19] =	ssyncset.done $0x0  }
0xf8: {  	p1 =	sne.s32 s26, s18;
	s20 =	sshrl.u32 @!p0 s15, $0x3;
	[sflag:s19] =	ssyncadd.s32 $0xFFFFEC80  }
0xf9: {  	[hbm:s17], [sflag:s1] =	dma.local @!p0 [spmem:s20], $0x80  }
.Ltmp3:
0xfa: {  	_ = 	snop;
	(pc) =	sbr.rel @p1 .LBB2_1-.Ltmp3, $4  }
0xfb: {  	s1 =	simm.s32 @!p0 $0x1  }
0xfc: {  	_ =	swait.ge @!p0 [sflag:s1], $0x80  }
0xfd: {  	[sflag:s1] =	ssyncset.done @!p0 $0x0  }
0xfe: {  	[sflag:s1] =	ssyncadd.s32 @!p0 $0xFFFFFF80  }
0xff: {  	_ =	sfence.sel $0x180000  }
0x100: {  	[bflag:$0x0] =	sbarrier.arrive $0xFFFF  }
0x101: {  	_ =	strace $0x90000047  }
0x102: {  	[bflag:$0x2] =	sbarrier.arrive $0xFFFF  }
0x103: {  	p0 =	sne.s32 s2, $0x0;
	s0 =	rddreg [dreg:$0x5]  }
0x104: {  	s0 =	sadd.s32 @!p0 $0x100000, s0  }
0x105: {  	[sflag:s0] =	ssyncadd.tile.s32 @!p0 $0x1;
	_ =	shalt  }
.Lfunc_end2:
_tile_overlayer_lowered:
.L_overlay_start_2:
0x106: {  	(tag) =	ssettag $0x2  }
0x107: {  	s0 =	rddreg [dreg:$0x0];
	s2 =	stileid.u32  }
0x108: {  	s1 =	rddreg [dreg:$0x1];
	p0 =	sne.s32 s2, $0x0  }
0x109: {  	s3 =	rddreg [dreg:$0x2];
	[bflag:$0x3] =	sbarrier.arrive $0xFFFF;
	s2 =	simm.s32 @!p0 $0x1C01  }
0x10a: {  	[timem:s3], [sflag:s2] =	dma.local @!p0 [hbm:s0], s1  }
0x10b: {  	s0 =	simm.s32 @!p0 $0x1  }
0x10c: {  	_ =	swait.ge @!p0 [sflag:s0], s1  }
0x10d: {  	s1 =	ssub.s32 @!p0 $0x0, s1;
	[sflag:s0] =	ssyncset.done @!p0 $0x0  }
0x10e: {  	[sflag:s0] =	ssyncadd.s32 @!p0 s1  }
0x10f: {  	[bflag:$0x3] =	sbarrier.arrive $0xFFFF  }
0x110: {  	_ =	shalt  }

</sc_bundles>
